<compile_context>
chip_gen: v7x
topology: tpu7x:2x2x1
jax: 0.10.2.dev20260603
libtpu: 0.0.44.dev20260713+nightly
codegen_flags: <defaults>
</compile_context>

<pallas_src>
import functools

import jax
import jax.numpy as jnp
from jax import lax
from jax.experimental import pallas as pl
from jax.experimental.pallas import tpu as pltpu
from jax.experimental.pallas import tpu_sc as plsc

D = 64
BB = 128
BLOCKS_PER_W = 4
HIST = 50
UNITS = BLOCKS_PER_W * HIST


def _body(num_cores, table_hbm, xt_hbm, out_hbm, xblk_v,
          rows0_v, rows1_v, tile0_v, tile1_v, sem_g0, sem_g1):
    sems_g = (sem_g0, sem_g1)
    rows = (rows0_v, rows1_v)
    tiles = (tile0_v, tile1_v)
    wid = lax.axis_index("s") * num_cores + lax.axis_index("c")

    lane = lax.iota(jnp.int32, 16)

    def idx_ref(u):
        l = u % HIST
        k = u // HIST
        return xblk_v.at[l, pl.ds(k * BB, BB)]

    zeros16 = jnp.zeros((16,), jnp.int32)
    dh16 = [(16 * s + lane) // 8 for s in range(4)]
    dl16 = [(16 * s + lane) % 8 for s in range(4)]

    def transpose_unit(par):
        r = rows[par]
        t = tiles[par]

        @plsc.parallel_loop(0, BB, 1, unroll=8)
        def _(bl):
            blv = zeros16 + bl
            for s in range(4):
                vec = r[bl, pl.ds(16 * s, 16)]
                plsc.store_scatter(t, [dh16[s], dl16[s], blv], vec)

    def issue_gather(par, u):
        pltpu.async_copy(table_hbm.at[idx_ref(u)], rows[par], sems_g[par])

    def wait_gather(par):
        pltpu.make_async_copy(
            table_hbm.at[xblk_v.at[0, pl.ds(0, BB)]],
            rows[par], sems_g[par]).wait()

    pltpu.sync_copy(
        xt_hbm.at[:, pl.ds(wid * (BLOCKS_PER_W * BB), BLOCKS_PER_W * BB)],
        xblk_v)
    issue_gather(0, 0)

    def pairbody(i, carry):
        for par in (0, 1):
            u = 2 * i + par
            wait_gather(par)

            @pl.when(u < UNITS - 1)
            def _():
                issue_gather(1 - par, u + 1)

            transpose_unit(par)
            l = u % HIST
            bh = wid * BLOCKS_PER_W + u // HIST
            pltpu.sync_copy(tiles[par].at[:, :, pl.ds(0, BB)],
                            out_hbm.at[l, :, bh])
        return carry

    lax.fori_loop(0, UNITS // 2, pairbody, 0)


def kernel(x, embed_table):
    B, H = x.shape
    info = plsc.get_sparse_core_info()
    nw = info.num_cores * info.num_subcores
    assert nw * BLOCKS_PER_W * BB == B and H == HIST

    xt = x.T.astype(jnp.int32)
    mesh = plsc.VectorSubcoreMesh(core_axis_name="c", subcore_axis_name="s")

    gather = functools.partial(
        pl.kernel,
        mesh=mesh,
        out_type=jax.ShapeDtypeStruct((HIST, 8, B // BB, 8, BB), jnp.float32),
        scratch_types=[
            pltpu.VMEM((HIST, BLOCKS_PER_W * BB), jnp.int32),
            pltpu.VMEM((BB, D), jnp.float32),
            pltpu.VMEM((BB, D), jnp.float32),
            pltpu.VMEM((8, 8, BB + 1), jnp.float32),
            pltpu.VMEM((8, 8, BB + 1), jnp.float32),
        ] + [pltpu.SemaphoreType.DMA] * 2,
        compiler_params=pltpu.CompilerParams(
            use_tc_tiling_on_sc=False, needs_layout_passes=False),
    )(functools.partial(_body, info.num_cores))

    out5 = gather(embed_table, xt)
    return out5.transpose(2, 4, 0, 1, 3).reshape(B, H, D)

# --- scband reference (transcript-rebuilt; emitter-appended) ---
"""Pipeline reference for scband-base-model-75204877353014 (READ-ONLY COPY).

The authoritative reference and input builder live on the scoring server;
editing this copy changes nothing except your own understanding.
"""

import jax, jax.numpy as jnp
import numpy as np

VOCAB = 1000000
EMBED_DIM = 64
BATCH = 16384
HIST = 50

def setup_inputs(seed: int = 0) -> dict:
    key = jax.random.key(seed)
    k_idx, k_tab = jax.random.split(key)
    x = jax.random.randint(k_idx, (BATCH, HIST), 0, VOCAB, dtype=jnp.int64)
    # nn.Embedding default init: N(0, 1)
    embed_table = jax.random.normal(k_tab, (VOCAB, EMBED_DIM), dtype=jnp.float32)
    return {"x": x, "embed_table": embed_table}

def reference(x, embed_table):
    # BaseModel.forward raises NotImplementedError; the defined computation on the
    # input path is the embedding lookup self.embed(x) used at the start of predict().
    emb = jnp.take(embed_table, x, axis=0)  # [B, L, D]
    return emb

if __name__ == "__main__":
    import jax
    _d = setup_inputs()
    print(jax.jit(kernel)(*tuple(_d.values())))

</pallas_src>

<mosaic_0001>
#map = affine_map<(d0, d1) -> (0, 0)>
#map1 = affine_map<(d0, d1) -> (0, 0, 0, 0, 0)>
module attributes {stable_mosaic.version = 14 : i64} {
  func.func @_body(%arg0: i32, %arg1: i32, %arg2: memref<1000000x64xf32, #tpu.memory_space<hbm>>, %arg3: memref<50x16384xi32, #tpu.memory_space<hbm>>, %arg4: memref<50x8x128x8x128xf32, #tpu.memory_space<hbm>>, %arg5: memref<50x512xi32, #tpu.memory_space<vmem>>, %arg6: memref<128x64xf32, #tpu.memory_space<vmem>>, %arg7: memref<128x64xf32, #tpu.memory_space<vmem>>, %arg8: memref<8x8x129xf32, #tpu.memory_space<vmem>>, %arg9: memref<8x8x129xf32, #tpu.memory_space<vmem>>, %arg10: memref<!tpu.dma_semaphore, #tpu.memory_space<semaphore_mem>>, %arg11: memref<!tpu.dma_semaphore, #tpu.memory_space<semaphore_mem>>) attributes {dimension_semantics = [#tpu.dimension_semantics<core_parallel>, #tpu.dimension_semantics<subcore_parallel>], iteration_bounds = array<i64: 2, 16>, scalar_prefetch = 0 : i64, scratch_operands = 7 : i64, tpu.core_type = #tpu.core_type<sc_vector_subcore>, window_params = [{transform_indices = #map}, {transform_indices = #map}, {transform_indices = #map1}]} {
    %mul3A = arith.constant 2 : i32
    %mul3A_0 = arith.muli %arg1, %mul3A : i32
    %add3A = arith.addi %mul3A_0, %arg0 : i32
    %iota3A = tpu.iota {dimensions = array<i32: 0>} : vector<16xi32>
    %broadcast_in_dim3A = arith.constant 0 : i32
    %broadcast_in_dim3A_1 = vector.broadcast %broadcast_in_dim3A : i32 to vector<16xi32>
    %add3A_2 = arith.constant 0 : i32
    %add3A_3 = vector.broadcast %add3A_2 : i32 to vector<16xi32>
    %add3A_4 = arith.addi %add3A_3, %iota3A : vector<16xi32>
    %jit3A = arith.constant 8 : i32
    %div3A = vector.broadcast %jit3A : i32 to vector<16xi32>
    %div3A_5 = arith.divsi %add3A_4, %div3A : vector<16xi32>
    %sign3A = arith.constant 0 : i32
    %sign3A_6 = vector.broadcast %sign3A : i32 to vector<16xi32>
    %sign3A_7 = arith.cmpi sgt, %add3A_4, %sign3A_6 : vector<16xi32>
    %sign3A_8 = arith.extui %sign3A_7 : vector<16xi1> to vector<16xi32>
    %sign3A_9 = arith.constant 0 : i32
    %sign3A_10 = vector.broadcast %sign3A_9 : i32 to vector<16xi32>
    %sign3A_11 = arith.cmpi slt, %add3A_4, %sign3A_10 : vector<16xi32>
    %sign3A_12 = arith.extui %sign3A_11 : vector<16xi1> to vector<16xi32>
    %sign3A_13 = arith.subi %sign3A_8, %sign3A_12 : vector<16xi32>
    %sign3A_14 = arith.constant 0 : i32
    %sign3A_15 = arith.cmpi sgt, %jit3A, %sign3A_14 : i32
    %sign3A_16 = arith.extui %sign3A_15 : i1 to i32
    %sign3A_17 = arith.constant 0 : i32
    %sign3A_18 = arith.cmpi slt, %jit3A, %sign3A_17 : i32
    %sign3A_19 = arith.extui %sign3A_18 : i1 to i32
    %sign3A_20 = arith.subi %sign3A_16, %sign3A_19 : i32
    %ne3A = vector.broadcast %sign3A_20 : i32 to vector<16xi32>
    %ne3A_21 = arith.cmpi ne, %sign3A_13, %ne3A : vector<16xi32>
    %rem3A = vector.broadcast %jit3A : i32 to vector<16xi32>
    %rem3A_22 = arith.remsi %add3A_4, %rem3A : vector<16xi32>
    %ne3A_23 = arith.constant 0 : i32
    %ne3A_24 = vector.broadcast %ne3A_23 : i32 to vector<16xi32>
    %ne3A_25 = arith.cmpi ne, %rem3A_22, %ne3A_24 : vector<16xi32>
    %and3A = arith.andi %ne3A_21, %ne3A_25 : vector<16xi1>
    %sub3A = arith.constant 1 : i32
    %sub3A_26 = vector.broadcast %sub3A : i32 to vector<16xi32>
    %sub3A_27 = arith.subi %div3A_5, %sub3A_26 : vector<16xi32>
    %select_n3A = arith.select %and3A, %sub3A_27, %div3A_5 : vector<16xi1>, vector<16xi32>
    %add3A_28 = arith.constant 16 : i32
    %add3A_29 = vector.broadcast %add3A_28 : i32 to vector<16xi32>
    %add3A_30 = arith.addi %add3A_29, %iota3A : vector<16xi32>
    %jit3A_31 = arith.constant 8 : i32
    %div3A_32 = vector.broadcast %jit3A_31 : i32 to vector<16xi32>
    %div3A_33 = arith.divsi %add3A_30, %div3A_32 : vector<16xi32>
    %sign3A_34 = arith.constant 0 : i32
    %sign3A_35 = vector.broadcast %sign3A_34 : i32 to vector<16xi32>
    %sign3A_36 = arith.cmpi sgt, %add3A_30, %sign3A_35 : vector<16xi32>
    %sign3A_37 = arith.extui %sign3A_36 : vector<16xi1> to vector<16xi32>
    %sign3A_38 = arith.constant 0 : i32
    %sign3A_39 = vector.broadcast %sign3A_38 : i32 to vector<16xi32>
    %sign3A_40 = arith.cmpi slt, %add3A_30, %sign3A_39 : vector<16xi32>
    %sign3A_41 = arith.extui %sign3A_40 : vector<16xi1> to vector<16xi32>
    %sign3A_42 = arith.subi %sign3A_37, %sign3A_41 : vector<16xi32>
    %sign3A_43 = arith.constant 0 : i32
    %sign3A_44 = arith.cmpi sgt, %jit3A_31, %sign3A_43 : i32
    %sign3A_45 = arith.extui %sign3A_44 : i1 to i32
    %sign3A_46 = arith.constant 0 : i32
    %sign3A_47 = arith.cmpi slt, %jit3A_31, %sign3A_46 : i32
    %sign3A_48 = arith.extui %sign3A_47 : i1 to i32
    %sign3A_49 = arith.subi %sign3A_45, %sign3A_48 : i32
    %ne3A_50 = vector.broadcast %sign3A_49 : i32 to vector<16xi32>
    %ne3A_51 = arith.cmpi ne, %sign3A_42, %ne3A_50 : vector<16xi32>
    %rem3A_52 = vector.broadcast %jit3A_31 : i32 to vector<16xi32>
    %rem3A_53 = arith.remsi %add3A_30, %rem3A_52 : vector<16xi32>
    %ne3A_54 = arith.constant 0 : i32
    %ne3A_55 = vector.broadcast %ne3A_54 : i32 to vector<16xi32>
    %ne3A_56 = arith.cmpi ne, %rem3A_53, %ne3A_55 : vector<16xi32>
    %and3A_57 = arith.andi %ne3A_51, %ne3A_56 : vector<16xi1>
    %sub3A_58 = arith.constant 1 : i32
    %sub3A_59 = vector.broadcast %sub3A_58 : i32 to vector<16xi32>
    %sub3A_60 = arith.subi %div3A_33, %sub3A_59 : vector<16xi32>
    %select_n3A_61 = arith.select %and3A_57, %sub3A_60, %div3A_33 : vector<16xi1>, vector<16xi32>
    %add3A_62 = arith.constant 32 : i32
    %add3A_63 = vector.broadcast %add3A_62 : i32 to vector<16xi32>
    %add3A_64 = arith.addi %add3A_63, %iota3A : vector<16xi32>
    %jit3A_65 = arith.constant 8 : i32
    %div3A_66 = vector.broadcast %jit3A_65 : i32 to vector<16xi32>
    %div3A_67 = arith.divsi %add3A_64, %div3A_66 : vector<16xi32>
    %sign3A_68 = arith.constant 0 : i32
    %sign3A_69 = vector.broadcast %sign3A_68 : i32 to vector<16xi32>
    %sign3A_70 = arith.cmpi sgt, %add3A_64, %sign3A_69 : vector<16xi32>
    %sign3A_71 = arith.extui %sign3A_70 : vector<16xi1> to vector<16xi32>
    %sign3A_72 = arith.constant 0 : i32
    %sign3A_73 = vector.broadcast %sign3A_72 : i32 to vector<16xi32>
    %sign3A_74 = arith.cmpi slt, %add3A_64, %sign3A_73 : vector<16xi32>
    %sign3A_75 = arith.extui %sign3A_74 : vector<16xi1> to vector<16xi32>
    %sign3A_76 = arith.subi %sign3A_71, %sign3A_75 : vector<16xi32>
    %sign3A_77 = arith.constant 0 : i32
    %sign3A_78 = arith.cmpi sgt, %jit3A_65, %sign3A_77 : i32
    %sign3A_79 = arith.extui %sign3A_78 : i1 to i32
    %sign3A_80 = arith.constant 0 : i32
    %sign3A_81 = arith.cmpi slt, %jit3A_65, %sign3A_80 : i32
    %sign3A_82 = arith.extui %sign3A_81 : i1 to i32
    %sign3A_83 = arith.subi %sign3A_79, %sign3A_82 : i32
    %ne3A_84 = vector.broadcast %sign3A_83 : i32 to vector<16xi32>
    %ne3A_85 = arith.cmpi ne, %sign3A_76, %ne3A_84 : vector<16xi32>
    %rem3A_86 = vector.broadcast %jit3A_65 : i32 to vector<16xi32>
    %rem3A_87 = arith.remsi %add3A_64, %rem3A_86 : vector<16xi32>
    %ne3A_88 = arith.constant 0 : i32
    %ne3A_89 = vector.broadcast %ne3A_88 : i32 to vector<16xi32>
    %ne3A_90 = arith.cmpi ne, %rem3A_87, %ne3A_89 : vector<16xi32>
    %and3A_91 = arith.andi %ne3A_85, %ne3A_90 : vector<16xi1>
    %sub3A_92 = arith.constant 1 : i32
    %sub3A_93 = vector.broadcast %sub3A_92 : i32 to vector<16xi32>
    %sub3A_94 = arith.subi %div3A_67, %sub3A_93 : vector<16xi32>
    %select_n3A_95 = arith.select %and3A_91, %sub3A_94, %div3A_67 : vector<16xi1>, vector<16xi32>
    %add3A_96 = arith.constant 48 : i32
    %add3A_97 = vector.broadcast %add3A_96 : i32 to vector<16xi32>
    %add3A_98 = arith.addi %add3A_97, %iota3A : vector<16xi32>
    %jit3A_99 = arith.constant 8 : i32
    %div3A_100 = vector.broadcast %jit3A_99 : i32 to vector<16xi32>
    %div3A_101 = arith.divsi %add3A_98, %div3A_100 : vector<16xi32>
    %sign3A_102 = arith.constant 0 : i32
    %sign3A_103 = vector.broadcast %sign3A_102 : i32 to vector<16xi32>
    %sign3A_104 = arith.cmpi sgt, %add3A_98, %sign3A_103 : vector<16xi32>
    %sign3A_105 = arith.extui %sign3A_104 : vector<16xi1> to vector<16xi32>
    %sign3A_106 = arith.constant 0 : i32
    %sign3A_107 = vector.broadcast %sign3A_106 : i32 to vector<16xi32>
    %sign3A_108 = arith.cmpi slt, %add3A_98, %sign3A_107 : vector<16xi32>
    %sign3A_109 = arith.extui %sign3A_108 : vector<16xi1> to vector<16xi32>
    %sign3A_110 = arith.subi %sign3A_105, %sign3A_109 : vector<16xi32>
    %sign3A_111 = arith.constant 0 : i32
    %sign3A_112 = arith.cmpi sgt, %jit3A_99, %sign3A_111 : i32
    %sign3A_113 = arith.extui %sign3A_112 : i1 to i32
    %sign3A_114 = arith.constant 0 : i32
    %sign3A_115 = arith.cmpi slt, %jit3A_99, %sign3A_114 : i32
    %sign3A_116 = arith.extui %sign3A_115 : i1 to i32
    %sign3A_117 = arith.subi %sign3A_113, %sign3A_116 : i32
    %ne3A_118 = vector.broadcast %sign3A_117 : i32 to vector<16xi32>
    %ne3A_119 = arith.cmpi ne, %sign3A_110, %ne3A_118 : vector<16xi32>
    %rem3A_120 = vector.broadcast %jit3A_99 : i32 to vector<16xi32>
    %rem3A_121 = arith.remsi %add3A_98, %rem3A_120 : vector<16xi32>
    %ne3A_122 = arith.constant 0 : i32
    %ne3A_123 = vector.broadcast %ne3A_122 : i32 to vector<16xi32>
    %ne3A_124 = arith.cmpi ne, %rem3A_121, %ne3A_123 : vector<16xi32>
    %and3A_125 = arith.andi %ne3A_119, %ne3A_124 : vector<16xi1>
    %sub3A_126 = arith.constant 1 : i32
    %sub3A_127 = vector.broadcast %sub3A_126 : i32 to vector<16xi32>
    %sub3A_128 = arith.subi %div3A_101, %sub3A_127 : vector<16xi32>
    %select_n3A_129 = arith.select %and3A_125, %sub3A_128, %div3A_101 : vector<16xi1>, vector<16xi32>
    %add3A_130 = arith.constant 0 : i32
    %add3A_131 = vector.broadcast %add3A_130 : i32 to vector<16xi32>
    %add3A_132 = arith.addi %add3A_131, %iota3A : vector<16xi32>
    %jit3A_133 = arith.constant 8 : i32
    %eq3A = arith.constant 0 : i32
    %eq3A_134 = arith.cmpi eq, %jit3A_133, %eq3A : i32
    %jit3A_135 = arith.constant 1 : i32
    %select_n3A_136 = arith.select %eq3A_134, %jit3A_135, %jit3A_133 : i32
    %rem3A_137 = vector.broadcast %select_n3A_136 : i32 to vector<16xi32>
    %rem3A_138 = arith.remsi %add3A_132, %rem3A_137 : vector<16xi32>
    %ne3A_139 = arith.constant 0 : i32
    %ne3A_140 = vector.broadcast %ne3A_139 : i32 to vector<16xi32>
    %ne3A_141 = arith.cmpi ne, %rem3A_138, %ne3A_140 : vector<16xi32>
    %lt3A = arith.constant 0 : i32
    %lt3A_142 = vector.broadcast %lt3A : i32 to vector<16xi32>
    %lt3A_143 = arith.cmpi slt, %rem3A_138, %lt3A_142 : vector<16xi32>
    %lt3A_144 = arith.constant 0 : i32
    %lt3A_145 = arith.cmpi slt, %select_n3A_136, %lt3A_144 : i32
    %ne3A_146 = vector.broadcast %lt3A_145 : i1 to vector<16xi1>
    %ne3A_147 = vector.broadcast %ne3A_146 : vector<16xi1> to vector<16xi1>
    %ne3A_148 = arith.xori %lt3A_143, %ne3A_147 : vector<16xi1>
    %and3A_149 = arith.andi %ne3A_148, %ne3A_141 : vector<16xi1>
    %add3A_150 = vector.broadcast %select_n3A_136 : i32 to vector<16xi32>
    %add3A_151 = arith.addi %rem3A_138, %add3A_150 : vector<16xi32>
    %select_n3A_152 = arith.select %and3A_149, %add3A_151, %rem3A_138 : vector<16xi1>, vector<16xi32>
    %add3A_153 = arith.constant 16 : i32
    %add3A_154 = vector.broadcast %add3A_153 : i32 to vector<16xi32>
    %add3A_155 = arith.addi %add3A_154, %iota3A : vector<16xi32>
    %jit3A_156 = arith.constant 8 : i32
    %eq3A_157 = arith.constant 0 : i32
    %eq3A_158 = arith.cmpi eq, %jit3A_156, %eq3A_157 : i32
    %jit3A_159 = arith.constant 1 : i32
    %select_n3A_160 = arith.select %eq3A_158, %jit3A_159, %jit3A_156 : i32
    %rem3A_161 = vector.broadcast %select_n3A_160 : i32 to vector<16xi32>
    %rem3A_162 = arith.remsi %add3A_155, %rem3A_161 : vector<16xi32>
    %ne3A_163 = arith.constant 0 : i32
    %ne3A_164 = vector.broadcast %ne3A_163 : i32 to vector<16xi32>
    %ne3A_165 = arith.cmpi ne, %rem3A_162, %ne3A_164 : vector<16xi32>
    %lt3A_166 = arith.constant 0 : i32
    %lt3A_167 = vector.broadcast %lt3A_166 : i32 to vector<16xi32>
    %lt3A_168 = arith.cmpi slt, %rem3A_162, %lt3A_167 : vector<16xi32>
    %lt3A_169 = arith.constant 0 : i32
    %lt3A_170 = arith.cmpi slt, %select_n3A_160, %lt3A_169 : i32
    %ne3A_171 = vector.broadcast %lt3A_170 : i1 to vector<16xi1>
    %ne3A_172 = vector.broadcast %ne3A_171 : vector<16xi1> to vector<16xi1>
    %ne3A_173 = arith.xori %lt3A_168, %ne3A_172 : vector<16xi1>
    %and3A_174 = arith.andi %ne3A_173, %ne3A_165 : vector<16xi1>
    %add3A_175 = vector.broadcast %select_n3A_160 : i32 to vector<16xi32>
    %add3A_176 = arith.addi %rem3A_162, %add3A_175 : vector<16xi32>
    %select_n3A_177 = arith.select %and3A_174, %add3A_176, %rem3A_162 : vector<16xi1>, vector<16xi32>
    %add3A_178 = arith.constant 32 : i32
    %add3A_179 = vector.broadcast %add3A_178 : i32 to vector<16xi32>
    %add3A_180 = arith.addi %add3A_179, %iota3A : vector<16xi32>
    %jit3A_181 = arith.constant 8 : i32
    %eq3A_182 = arith.constant 0 : i32
    %eq3A_183 = arith.cmpi eq, %jit3A_181, %eq3A_182 : i32
    %jit3A_184 = arith.constant 1 : i32
    %select_n3A_185 = arith.select %eq3A_183, %jit3A_184, %jit3A_181 : i32
    %rem3A_186 = vector.broadcast %select_n3A_185 : i32 to vector<16xi32>
    %rem3A_187 = arith.remsi %add3A_180, %rem3A_186 : vector<16xi32>
    %ne3A_188 = arith.constant 0 : i32
    %ne3A_189 = vector.broadcast %ne3A_188 : i32 to vector<16xi32>
    %ne3A_190 = arith.cmpi ne, %rem3A_187, %ne3A_189 : vector<16xi32>
    %lt3A_191 = arith.constant 0 : i32
    %lt3A_192 = vector.broadcast %lt3A_191 : i32 to vector<16xi32>
    %lt3A_193 = arith.cmpi slt, %rem3A_187, %lt3A_192 : vector<16xi32>
    %lt3A_194 = arith.constant 0 : i32
    %lt3A_195 = arith.cmpi slt, %select_n3A_185, %lt3A_194 : i32
    %ne3A_196 = vector.broadcast %lt3A_195 : i1 to vector<16xi1>
    %ne3A_197 = vector.broadcast %ne3A_196 : vector<16xi1> to vector<16xi1>
    %ne3A_198 = arith.xori %lt3A_193, %ne3A_197 : vector<16xi1>
    %and3A_199 = arith.andi %ne3A_198, %ne3A_190 : vector<16xi1>
    %add3A_200 = vector.broadcast %select_n3A_185 : i32 to vector<16xi32>
    %add3A_201 = arith.addi %rem3A_187, %add3A_200 : vector<16xi32>
    %select_n3A_202 = arith.select %and3A_199, %add3A_201, %rem3A_187 : vector<16xi1>, vector<16xi32>
    %add3A_203 = arith.constant 48 : i32
    %add3A_204 = vector.broadcast %add3A_203 : i32 to vector<16xi32>
    %add3A_205 = arith.addi %add3A_204, %iota3A : vector<16xi32>
    %jit3A_206 = arith.constant 8 : i32
    %eq3A_207 = arith.constant 0 : i32
    %eq3A_208 = arith.cmpi eq, %jit3A_206, %eq3A_207 : i32
    %jit3A_209 = arith.constant 1 : i32
    %select_n3A_210 = arith.select %eq3A_208, %jit3A_209, %jit3A_206 : i32
    %rem3A_211 = vector.broadcast %select_n3A_210 : i32 to vector<16xi32>
    %rem3A_212 = arith.remsi %add3A_205, %rem3A_211 : vector<16xi32>
    %ne3A_213 = arith.constant 0 : i32
    %ne3A_214 = vector.broadcast %ne3A_213 : i32 to vector<16xi32>
    %ne3A_215 = arith.cmpi ne, %rem3A_212, %ne3A_214 : vector<16xi32>
    %lt3A_216 = arith.constant 0 : i32
    %lt3A_217 = vector.broadcast %lt3A_216 : i32 to vector<16xi32>
    %lt3A_218 = arith.cmpi slt, %rem3A_212, %lt3A_217 : vector<16xi32>
    %lt3A_219 = arith.constant 0 : i32
    %lt3A_220 = arith.cmpi slt, %select_n3A_210, %lt3A_219 : i32
    %ne3A_221 = vector.broadcast %lt3A_220 : i1 to vector<16xi1>
    %ne3A_222 = vector.broadcast %ne3A_221 : vector<16xi1> to vector<16xi1>
    %ne3A_223 = arith.xori %lt3A_218, %ne3A_222 : vector<16xi1>
    %and3A_224 = arith.andi %ne3A_223, %ne3A_215 : vector<16xi1>
    %add3A_225 = vector.broadcast %select_n3A_210 : i32 to vector<16xi32>
    %add3A_226 = arith.addi %rem3A_212, %add3A_225 : vector<16xi32>
    %select_n3A_227 = arith.select %and3A_224, %add3A_226, %rem3A_212 : vector<16xi1>, vector<16xi32>
    %mul3A_228 = arith.constant 512 : i32
    %mul3A_229 = arith.muli %add3A, %mul3A_228 : i32
    "tpu.region"() ({
      %run_scoped3A = tpu.sem_alloc : memref<!tpu.dma_semaphore, #tpu.memory_space<semaphore_mem>>
      %dma_start3A_241 = arith.constant 0 : i32
      %dma_start3A_242 = tpu.memref_slice %arg3[%dma_start3A_241, %mul3A_229] : memref<50x16384xi32, #tpu.memory_space<hbm>> -> memref<50x512xi32, #tpu.memory_space<hbm>>
      %dma_start3A_243 = arith.constant 0 : i32
      %dma_start3A_244 = tpu.memref_slice %arg3[%dma_start3A_243, %mul3A_229] : memref<50x16384xi32, #tpu.memory_space<hbm>> -> memref<50x512xi32, #tpu.memory_space<hbm>>
      tpu.enqueue_dma source(%dma_start3A_244 : memref<50x512xi32, #tpu.memory_space<hbm>>) target(%arg5 : memref<50x512xi32, #tpu.memory_space<vmem>>) target_semaphore(%run_scoped3A : memref<!tpu.dma_semaphore, #tpu.memory_space<semaphore_mem>>)
      %dma_wait3A = arith.constant 0 : i32
      %dma_wait3A_245 = tpu.memref_slice %arg3[%dma_wait3A, %mul3A_229] : memref<50x16384xi32, #tpu.memory_space<hbm>> -> memref<50x512xi32, #tpu.memory_space<hbm>>
      %dma_wait3A_246 = arith.constant 0 : i32
      %dma_wait3A_247 = tpu.memref_slice %arg3[%dma_wait3A_246, %mul3A_229] : memref<50x16384xi32, #tpu.memory_space<hbm>> -> memref<50x512xi32, #tpu.memory_space<hbm>>
      tpu.wait_dma2 semaphore(%run_scoped3A : memref<!tpu.dma_semaphore, #tpu.memory_space<semaphore_mem>>) src(%dma_wait3A_247 : memref<50x512xi32, #tpu.memory_space<hbm>>) dst(%arg5 : memref<50x512xi32, #tpu.memory_space<vmem>>)
      tpu.yield
    }) : () -> ()
    %dma_start3A = arith.constant 0 : i32
    %dma_start3A_230 = arith.constant 0 : i32
    %dma_start3A_231 = tpu.memref_slice %arg5[%dma_start3A, %dma_start3A_230] : memref<50x512xi32, #tpu.memory_space<vmem>> -> memref<1x128xi32, #tpu.memory_space<vmem>>
    %dma_start3A_232 = tpu.memref_squeeze %dma_start3A_231 : memref<1x128xi32, #tpu.memory_space<vmem>> -> memref<128xi32, #tpu.memory_space<vmem>>
    %dma_start3A_233 = arith.constant 0 : i32
    %dma_start3A_234 = arith.constant 0 : i32
    %dma_start3A_235 = tpu.memref_slice %arg2[%dma_start3A_233, %dma_start3A_234] : memref<1000000x64xf32, #tpu.memory_space<hbm>> -> memref<1000000x64xf32, #tpu.memory_space<hbm>>
    tpu.enqueue_indirect_dma source(%dma_start3A_235 : memref<1000000x64xf32, #tpu.memory_space<hbm>>) target(%arg6 : memref<128x64xf32, #tpu.memory_space<vmem>>) offsets(%dma_start3A_232 : memref<128xi32, #tpu.memory_space<vmem>>) semaphore(%arg10 : memref<!tpu.dma_semaphore, #tpu.memory_space<semaphore_mem>>)
    %scan3A = arith.constant 0 : i32
    %scan3A_236 = arith.constant 0 : i32
    %scan3A_237 = arith.constant 100 : i32
    %scan3A_238 = arith.addi %scan3A_236, %scan3A_237 : i32
    %scan3A_239 = arith.constant 1 : i32
    scf.for %scan3A_241 = %scan3A_236 to %scan3A_238 step %scan3A_239  : i32 {
      %mul3A_242 = arith.constant 2 : i32
      %mul3A_243 = arith.muli %mul3A_242, %scan3A_241 : i32
      %add3A_244 = arith.constant 0 : i32
      %add3A_245 = arith.addi %mul3A_243, %add3A_244 : i32
      %dma_wait3A = arith.constant 0 : i32
      %dma_wait3A_246 = arith.constant 0 : i32
      %dma_wait3A_247 = tpu.memref_slice %arg5[%dma_wait3A, %dma_wait3A_246] : memref<50x512xi32, #tpu.memory_space<vmem>> -> memref<1x128xi32, #tpu.memory_space<vmem>>
      %dma_wait3A_248 = tpu.memref_squeeze %dma_wait3A_247 : memref<1x128xi32, #tpu.memory_space<vmem>> -> memref<128xi32, #tpu.memory_space<vmem>>
      %dma_wait3A_249 = arith.constant 0 : i32
      %dma_wait3A_250 = arith.constant 0 : i32
      %dma_wait3A_251 = tpu.memref_slice %arg2[%dma_wait3A_249, %dma_wait3A_250] : memref<1000000x64xf32, #tpu.memory_space<hbm>> -> memref<1000000x64xf32, #tpu.memory_space<hbm>>
      tpu.wait_indirect_dma semaphore(%arg10 : memref<!tpu.dma_semaphore, #tpu.memory_space<semaphore_mem>>) src(%dma_wait3A_251 : memref<1000000x64xf32, #tpu.memory_space<hbm>>) dst(%arg6 : memref<128x64xf32, #tpu.memory_space<vmem>>)
      %lt3A_252 = arith.constant 199 : i32
      %lt3A_253 = arith.cmpi slt, %add3A_245, %lt3A_252 : i32
      %convert_element_type3A = arith.extui %lt3A_253 : i1 to i32
      %cond3A = arith.constant 0 : i32
      %cond3A_254 = arith.cmpi ne, %convert_element_type3A, %cond3A : i32
      scf.if %cond3A_254 {
        %add3A_362 = arith.constant 1 : i32
        %add3A_363 = arith.addi %add3A_245, %add3A_362 : i32
        %jit3A_364 = arith.constant 50 : i32
        %eq3A_365 = arith.constant 0 : i32
        %eq3A_366 = arith.cmpi eq, %jit3A_364, %eq3A_365 : i32
        %jit3A_367 = arith.constant 1 : i32
        %select_n3A_368 = arith.select %eq3A_366, %jit3A_367, %jit3A_364 : i32
        %rem3A_369 = arith.remsi %add3A_363, %select_n3A_368 : i32
        %ne3A_370 = arith.constant 0 : i32
        %ne3A_371 = arith.cmpi ne, %rem3A_369, %ne3A_370 : i32
        %lt3A_372 = arith.constant 0 : i32
        %lt3A_373 = arith.cmpi slt, %rem3A_369, %lt3A_372 : i32
        %lt3A_374 = arith.constant 0 : i32
        %lt3A_375 = arith.cmpi slt, %select_n3A_368, %lt3A_374 : i32
        %ne3A_376 = arith.xori %lt3A_373, %lt3A_375 : i1
        %and3A_377 = arith.andi %ne3A_376, %ne3A_371 : i1
        %add3A_378 = arith.addi %rem3A_369, %select_n3A_368 : i32
        %select_n3A_379 = arith.select %and3A_377, %add3A_378, %rem3A_369 : i32
        %jit3A_380 = arith.constant 50 : i32
        %div3A_381 = arith.divsi %add3A_363, %jit3A_380 : i32
        %sign3A_382 = arith.constant 0 : i32
        %sign3A_383 = arith.cmpi sgt, %add3A_363, %sign3A_382 : i32
        %sign3A_384 = arith.extui %sign3A_383 : i1 to i32
        %sign3A_385 = arith.constant 0 : i32
        %sign3A_386 = arith.cmpi slt, %add3A_363, %sign3A_385 : i32
        %sign3A_387 = arith.extui %sign3A_386 : i1 to i32
        %sign3A_388 = arith.subi %sign3A_384, %sign3A_387 : i32
        %sign3A_389 = arith.constant 0 : i32
        %sign3A_390 = arith.cmpi sgt, %jit3A_380, %sign3A_389 : i32
        %sign3A_391 = arith.extui %sign3A_390 : i1 to i32
        %sign3A_392 = arith.constant 0 : i32
        %sign3A_393 = arith.cmpi slt, %jit3A_380, %sign3A_392 : i32
        %sign3A_394 = arith.extui %sign3A_393 : i1 to i32
        %sign3A_395 = arith.subi %sign3A_391, %sign3A_394 : i32
        %ne3A_396 = arith.cmpi ne, %sign3A_388, %sign3A_395 : i32
        %rem3A_397 = arith.remsi %add3A_363, %jit3A_380 : i32
        %ne3A_398 = arith.constant 0 : i32
        %ne3A_399 = arith.cmpi ne, %rem3A_397, %ne3A_398 : i32
        %and3A_400 = arith.andi %ne3A_396, %ne3A_399 : i1
        %sub3A_401 = arith.constant 1 : i32
        %sub3A_402 = arith.subi %div3A_381, %sub3A_401 : i32
        %select_n3A_403 = arith.select %and3A_400, %sub3A_402, %div3A_381 : i32
        %mul3A_404 = arith.constant 128 : i32
        %mul3A_405 = arith.muli %select_n3A_403, %mul3A_404 : i32
        %dma_start3A_406 = tpu.memref_slice %arg5[%select_n3A_379, %mul3A_405] : memref<50x512xi32, #tpu.memory_space<vmem>> -> memref<1x128xi32, #tpu.memory_space<vmem>>
        %dma_start3A_407 = tpu.memref_squeeze %dma_start3A_406 : memref<1x128xi32, #tpu.memory_space<vmem>> -> memref<128xi32, #tpu.memory_space<vmem>>
        %dma_start3A_408 = arith.constant 0 : i32
        %dma_start3A_409 = arith.constant 0 : i32
        %dma_start3A_410 = tpu.memref_slice %arg2[%dma_start3A_408, %dma_start3A_409] : memref<1000000x64xf32, #tpu.memory_space<hbm>> -> memref<1000000x64xf32, #tpu.memory_space<hbm>>
        tpu.enqueue_indirect_dma source(%dma_start3A_410 : memref<1000000x64xf32, #tpu.memory_space<hbm>>) target(%arg7 : memref<128x64xf32, #tpu.memory_space<vmem>>) offsets(%dma_start3A_407 : memref<128xi32, #tpu.memory_space<vmem>>) semaphore(%arg11 : memref<!tpu.dma_semaphore, #tpu.memory_space<semaphore_mem>>)
      } else {
      }
      %parallel_loop3A = arith.constant 0 : i32
      %parallel_loop3A_255 = arith.constant 128 : i32
      %parallel_loop3A_256 = arith.constant 1 : i32
      scf.for %parallel_loop3A_362 = %parallel_loop3A to %parallel_loop3A_255 step %parallel_loop3A_256  : i32 {
        %parallel_loop3A_363 = vector.broadcast %parallel_loop3A_362 : i32 to vector<16xi32>
        %parallel_loop3A_364 = arith.addi %broadcast_in_dim3A_1, %parallel_loop3A_363 : vector<16xi32>
        %parallel_loop3A_365 = arith.index_cast %parallel_loop3A_362 : i32 to index
        %parallel_loop3A_366 = arith.constant 0 : index
        %parallel_loop3A_367 = tpu.vector_load %arg6[%parallel_loop3A_365, %parallel_loop3A_366] {strides = array<i32>} : memref<128x64xf32, #tpu.memory_space<vmem>>, vector<16xf32>,
        tpu.vector_store_idx %arg8[%select_n3A, %select_n3A_152, %parallel_loop3A_364], %parallel_loop3A_367 : memref<8x8x129xf32, #tpu.memory_space<vmem>>[vector<16xi32>, vector<16xi32>, vector<16xi32>], vector<16xf32>,
        %parallel_loop3A_368 = arith.index_cast %parallel_loop3A_362 : i32 to index
        %parallel_loop3A_369 = arith.constant 16 : index
        %parallel_loop3A_370 = tpu.vector_load %arg6[%parallel_loop3A_368, %parallel_loop3A_369] {strides = array<i32>} : memref<128x64xf32, #tpu.memory_space<vmem>>, vector<16xf32>,
        tpu.vector_store_idx %arg8[%select_n3A_61, %select_n3A_177, %parallel_loop3A_364], %parallel_loop3A_370 : memref<8x8x129xf32, #tpu.memory_space<vmem>>[vector<16xi32>, vector<16xi32>, vector<16xi32>], vector<16xf32>,
        %parallel_loop3A_371 = arith.index_cast %parallel_loop3A_362 : i32 to index
        %parallel_loop3A_372 = arith.constant 32 : index
        %parallel_loop3A_373 = tpu.vector_load %arg6[%parallel_loop3A_371, %parallel_loop3A_372] {strides = array<i32>} : memref<128x64xf32, #tpu.memory_space<vmem>>, vector<16xf32>,
        tpu.vector_store_idx %arg8[%select_n3A_95, %select_n3A_202, %parallel_loop3A_364], %parallel_loop3A_373 : memref<8x8x129xf32, #tpu.memory_space<vmem>>[vector<16xi32>, vector<16xi32>, vector<16xi32>], vector<16xf32>,
        %parallel_loop3A_374 = arith.index_cast %parallel_loop3A_362 : i32 to index
        %parallel_loop3A_375 = arith.constant 48 : index
        %parallel_loop3A_376 = tpu.vector_load %arg6[%parallel_loop3A_374, %parallel_loop3A_375] {strides = array<i32>} : memref<128x64xf32, #tpu.memory_space<vmem>>, vector<16xf32>,
        tpu.vector_store_idx %arg8[%select_n3A_129, %select_n3A_227, %parallel_loop3A_364], %parallel_loop3A_376 : memref<8x8x129xf32, #tpu.memory_space<vmem>>[vector<16xi32>, vector<16xi32>, vector<16xi32>], vector<16xf32>,
      } {sc.loop_unroll_factor = 8 : i64, sc.parallel_access}
      %jit3A_257 = arith.constant 50 : i32
      %eq3A_258 = arith.constant 0 : i32
      %eq3A_259 = arith.cmpi eq, %jit3A_257, %eq3A_258 : i32
      %jit3A_260 = arith.constant 1 : i32
      %select_n3A_261 = arith.select %eq3A_259, %jit3A_260, %jit3A_257 : i32
      %rem3A_262 = arith.remsi %add3A_245, %select_n3A_261 : i32
      %ne3A_263 = arith.constant 0 : i32
      %ne3A_264 = arith.cmpi ne, %rem3A_262, %ne3A_263 : i32
      %lt3A_265 = arith.constant 0 : i32
      %lt3A_266 = arith.cmpi slt, %rem3A_262, %lt3A_265 : i32
      %lt3A_267 = arith.constant 0 : i32
      %lt3A_268 = arith.cmpi slt, %select_n3A_261, %lt3A_267 : i32
      %ne3A_269 = arith.xori %lt3A_266, %lt3A_268 : i1
      %and3A_270 = arith.andi %ne3A_269, %ne3A_264 : i1
      %add3A_271 = arith.addi %rem3A_262, %select_n3A_261 : i32
      %select_n3A_272 = arith.select %and3A_270, %add3A_271, %rem3A_262 : i32
      %mul3A_273 = arith.constant 4 : i32
      %mul3A_274 = arith.muli %add3A, %mul3A_273 : i32
      %jit3A_275 = arith.constant 50 : i32
      %div3A_276 = arith.divsi %add3A_245, %jit3A_275 : i32
      %sign3A_277 = arith.constant 0 : i32
      %sign3A_278 = arith.cmpi sgt, %add3A_245, %sign3A_277 : i32
      %sign3A_279 = arith.extui %sign3A_278 : i1 to i32
      %sign3A_280 = arith.constant 0 : i32
      %sign3A_281 = arith.cmpi slt, %add3A_245, %sign3A_280 : i32
      %sign3A_282 = arith.extui %sign3A_281 : i1 to i32
      %sign3A_283 = arith.subi %sign3A_279, %sign3A_282 : i32
      %sign3A_284 = arith.constant 0 : i32
      %sign3A_285 = arith.cmpi sgt, %jit3A_275, %sign3A_284 : i32
      %sign3A_286 = arith.extui %sign3A_285 : i1 to i32
      %sign3A_287 = arith.constant 0 : i32
      %sign3A_288 = arith.cmpi slt, %jit3A_275, %sign3A_287 : i32
      %sign3A_289 = arith.extui %sign3A_288 : i1 to i32
      %sign3A_290 = arith.subi %sign3A_286, %sign3A_289 : i32
      %ne3A_291 = arith.cmpi ne, %sign3A_283, %sign3A_290 : i32
      %rem3A_292 = arith.remsi %add3A_245, %jit3A_275 : i32
      %ne3A_293 = arith.constant 0 : i32
      %ne3A_294 = arith.cmpi ne, %rem3A_292, %ne3A_293 : i32
      %and3A_295 = arith.andi %ne3A_291, %ne3A_294 : i1
      %sub3A_296 = arith.constant 1 : i32
      %sub3A_297 = arith.subi %div3A_276, %sub3A_296 : i32
      %select_n3A_298 = arith.select %and3A_295, %sub3A_297, %div3A_276 : i32
      %add3A_299 = arith.addi %mul3A_274, %select_n3A_298 : i32
      "tpu.region"() ({
        %run_scoped3A = tpu.sem_alloc : memref<!tpu.dma_semaphore, #tpu.memory_space<semaphore_mem>>
        %dma_start3A_362 = arith.constant 0 : i32
        %dma_start3A_363 = arith.constant 0 : i32
        %dma_start3A_364 = arith.constant 0 : i32
        %dma_start3A_365 = tpu.memref_slice %arg8[%dma_start3A_362, %dma_start3A_363, %dma_start3A_364] : memref<8x8x129xf32, #tpu.memory_space<vmem>> -> memref<8x8x128xf32, #tpu.memory_space<vmem>>
        %dma_start3A_366 = arith.constant 0 : i32
        %dma_start3A_367 = arith.constant 0 : i32
        %dma_start3A_368 = arith.constant 0 : i32
        %dma_start3A_369 = tpu.memref_slice %arg4[%select_n3A_272, %dma_start3A_366, %add3A_299, %dma_start3A_367, %dma_start3A_368] : memref<50x8x128x8x128xf32, #tpu.memory_space<hbm>> -> memref<1x8x1x8x128xf32, #tpu.memory_space<hbm>>
        %dma_start3A_370 = tpu.memref_squeeze %dma_start3A_369 : memref<1x8x1x8x128xf32, #tpu.memory_space<hbm>> -> memref<8x8x128xf32, #tpu.memory_space<hbm>>
        %dma_start3A_371 = arith.constant 0 : i32
        %dma_start3A_372 = arith.constant 0 : i32
        %dma_start3A_373 = arith.constant 0 : i32
        %dma_start3A_374 = tpu.memref_slice %arg4[%select_n3A_272, %dma_start3A_371, %add3A_299, %dma_start3A_372, %dma_start3A_373] : memref<50x8x128x8x128xf32, #tpu.memory_space<hbm>> -> memref<1x8x1x8x128xf32, #tpu.memory_space<hbm>>
        %dma_start3A_375 = tpu.memref_squeeze %dma_start3A_374 : memref<1x8x1x8x128xf32, #tpu.memory_space<hbm>> -> memref<8x8x128xf32, #tpu.memory_space<hbm>>
        %dma_start3A_376 = arith.constant 0 : i32
        %dma_start3A_377 = arith.constant 0 : i32
        %dma_start3A_378 = arith.constant 0 : i32
        %dma_start3A_379 = tpu.memref_slice %arg8[%dma_start3A_376, %dma_start3A_377, %dma_start3A_378] : memref<8x8x129xf32, #tpu.memory_space<vmem>> -> memref<8x8x128xf32, #tpu.memory_space<vmem>>
        tpu.enqueue_dma source(%dma_start3A_379 : memref<8x8x128xf32, #tpu.memory_space<vmem>>) target(%dma_start3A_375 : memref<8x8x128xf32, #tpu.memory_space<hbm>>) target_semaphore(%run_scoped3A : memref<!tpu.dma_semaphore, #tpu.memory_space<semaphore_mem>>)
        %dma_wait3A_380 = arith.constant 0 : i32
        %dma_wait3A_381 = arith.constant 0 : i32
        %dma_wait3A_382 = arith.constant 0 : i32
        %dma_wait3A_383 = tpu.memref_slice %arg8[%dma_wait3A_380, %dma_wait3A_381, %dma_wait3A_382] : memref<8x8x129xf32, #tpu.memory_space<vmem>> -> memref<8x8x128xf32, #tpu.memory_space<vmem>>
        %dma_wait3A_384 = arith.constant 0 : i32
        %dma_wait3A_385 = arith.constant 0 : i32
        %dma_wait3A_386 = arith.constant 0 : i32
        %dma_wait3A_387 = tpu.memref_slice %arg4[%select_n3A_272, %dma_wait3A_384, %add3A_299, %dma_wait3A_385, %dma_wait3A_386] : memref<50x8x128x8x128xf32, #tpu.memory_space<hbm>> -> memref<1x8x1x8x128xf32, #tpu.memory_space<hbm>>
        %dma_wait3A_388 = tpu.memref_squeeze %dma_wait3A_387 : memref<1x8x1x8x128xf32, #tpu.memory_space<hbm>> -> memref<8x8x128xf32, #tpu.memory_space<hbm>>
        %dma_wait3A_389 = arith.constant 0 : i32
        %dma_wait3A_390 = arith.constant 0 : i32
        %dma_wait3A_391 = arith.constant 0 : i32
        %dma_wait3A_392 = tpu.memref_slice %arg4[%select_n3A_272, %dma_wait3A_389, %add3A_299, %dma_wait3A_390, %dma_wait3A_391] : memref<50x8x128x8x128xf32, #tpu.memory_space<hbm>> -> memref<1x8x1x8x128xf32, #tpu.memory_space<hbm>>
        %dma_wait3A_393 = tpu.memref_squeeze %dma_wait3A_392 : memref<1x8x1x8x128xf32, #tpu.memory_space<hbm>> -> memref<8x8x128xf32, #tpu.memory_space<hbm>>
        %dma_wait3A_394 = arith.constant 0 : i32
        %dma_wait3A_395 = arith.constant 0 : i32
        %dma_wait3A_396 = arith.constant 0 : i32
        %dma_wait3A_397 = tpu.memref_slice %arg8[%dma_wait3A_394, %dma_wait3A_395, %dma_wait3A_396] : memref<8x8x129xf32, #tpu.memory_space<vmem>> -> memref<8x8x128xf32, #tpu.memory_space<vmem>>
        tpu.wait_dma2 semaphore(%run_scoped3A : memref<!tpu.dma_semaphore, #tpu.memory_space<semaphore_mem>>) src(%dma_wait3A_397 : memref<8x8x128xf32, #tpu.memory_space<vmem>>) dst(%dma_wait3A_393 : memref<8x8x128xf32, #tpu.memory_space<hbm>>)
        tpu.yield
      }) : () -> ()
      %mul3A_300 = arith.constant 2 : i32
      %mul3A_301 = arith.muli %mul3A_300, %scan3A_241 : i32
      %add3A_302 = arith.constant 1 : i32
      %add3A_303 = arith.addi %mul3A_301, %add3A_302 : i32
      %dma_wait3A_304 = arith.constant 0 : i32
      %dma_wait3A_305 = arith.constant 0 : i32
      %dma_wait3A_306 = tpu.memref_slice %arg5[%dma_wait3A_304, %dma_wait3A_305] : memref<50x512xi32, #tpu.memory_space<vmem>> -> memref<1x128xi32, #tpu.memory_space<vmem>>
      %dma_wait3A_307 = tpu.memref_squeeze %dma_wait3A_306 : memref<1x128xi32, #tpu.memory_space<vmem>> -> memref<128xi32, #tpu.memory_space<vmem>>
      %dma_wait3A_308 = arith.constant 0 : i32
      %dma_wait3A_309 = arith.constant 0 : i32
      %dma_wait3A_310 = tpu.memref_slice %arg2[%dma_wait3A_308, %dma_wait3A_309] : memref<1000000x64xf32, #tpu.memory_space<hbm>> -> memref<1000000x64xf32, #tpu.memory_space<hbm>>
      tpu.wait_indirect_dma semaphore(%arg11 : memref<!tpu.dma_semaphore, #tpu.memory_space<semaphore_mem>>) src(%dma_wait3A_310 : memref<1000000x64xf32, #tpu.memory_space<hbm>>) dst(%arg7 : memref<128x64xf32, #tpu.memory_space<vmem>>)
      %lt3A_311 = arith.constant 199 : i32
      %lt3A_312 = arith.cmpi slt, %add3A_303, %lt3A_311 : i32
      %convert_element_type3A_313 = arith.extui %lt3A_312 : i1 to i32
      %cond3A_314 = arith.constant 0 : i32
      %cond3A_315 = arith.cmpi ne, %convert_element_type3A_313, %cond3A_314 : i32
      scf.if %cond3A_315 {
        %add3A_362 = arith.constant 1 : i32
        %add3A_363 = arith.addi %add3A_303, %add3A_362 : i32
        %jit3A_364 = arith.constant 50 : i32
        %eq3A_365 = arith.constant 0 : i32
        %eq3A_366 = arith.cmpi eq, %jit3A_364, %eq3A_365 : i32
        %jit3A_367 = arith.constant 1 : i32
        %select_n3A_368 = arith.select %eq3A_366, %jit3A_367, %jit3A_364 : i32
        %rem3A_369 = arith.remsi %add3A_363, %select_n3A_368 : i32
        %ne3A_370 = arith.constant 0 : i32
        %ne3A_371 = arith.cmpi ne, %rem3A_369, %ne3A_370 : i32
        %lt3A_372 = arith.constant 0 : i32
        %lt3A_373 = arith.cmpi slt, %rem3A_369, %lt3A_372 : i32
        %lt3A_374 = arith.constant 0 : i32
        %lt3A_375 = arith.cmpi slt, %select_n3A_368, %lt3A_374 : i32
        %ne3A_376 = arith.xori %lt3A_373, %lt3A_375 : i1
        %and3A_377 = arith.andi %ne3A_376, %ne3A_371 : i1
        %add3A_378 = arith.addi %rem3A_369, %select_n3A_368 : i32
        %select_n3A_379 = arith.select %and3A_377, %add3A_378, %rem3A_369 : i32
        %jit3A_380 = arith.constant 50 : i32
        %div3A_381 = arith.divsi %add3A_363, %jit3A_380 : i32
        %sign3A_382 = arith.constant 0 : i32
        %sign3A_383 = arith.cmpi sgt, %add3A_363, %sign3A_382 : i32
        %sign3A_384 = arith.extui %sign3A_383 : i1 to i32
        %sign3A_385 = arith.constant 0 : i32
        %sign3A_386 = arith.cmpi slt, %add3A_363, %sign3A_385 : i32
        %sign3A_387 = arith.extui %sign3A_386 : i1 to i32
        %sign3A_388 = arith.subi %sign3A_384, %sign3A_387 : i32
        %sign3A_389 = arith.constant 0 : i32
        %sign3A_390 = arith.cmpi sgt, %jit3A_380, %sign3A_389 : i32
        %sign3A_391 = arith.extui %sign3A_390 : i1 to i32
        %sign3A_392 = arith.constant 0 : i32
        %sign3A_393 = arith.cmpi slt, %jit3A_380, %sign3A_392 : i32
        %sign3A_394 = arith.extui %sign3A_393 : i1 to i32
        %sign3A_395 = arith.subi %sign3A_391, %sign3A_394 : i32
        %ne3A_396 = arith.cmpi ne, %sign3A_388, %sign3A_395 : i32
        %rem3A_397 = arith.remsi %add3A_363, %jit3A_380 : i32
        %ne3A_398 = arith.constant 0 : i32
        %ne3A_399 = arith.cmpi ne, %rem3A_397, %ne3A_398 : i32
        %and3A_400 = arith.andi %ne3A_396, %ne3A_399 : i1
        %sub3A_401 = arith.constant 1 : i32
        %sub3A_402 = arith.subi %div3A_381, %sub3A_401 : i32
        %select_n3A_403 = arith.select %and3A_400, %sub3A_402, %div3A_381 : i32
        %mul3A_404 = arith.constant 128 : i32
        %mul3A_405 = arith.muli %select_n3A_403, %mul3A_404 : i32
        %dma_start3A_406 = tpu.memref_slice %arg5[%select_n3A_379, %mul3A_405] : memref<50x512xi32, #tpu.memory_space<vmem>> -> memref<1x128xi32, #tpu.memory_space<vmem>>
        %dma_start3A_407 = tpu.memref_squeeze %dma_start3A_406 : memref<1x128xi32, #tpu.memory_space<vmem>> -> memref<128xi32, #tpu.memory_space<vmem>>
        %dma_start3A_408 = arith.constant 0 : i32
        %dma_start3A_409 = arith.constant 0 : i32
        %dma_start3A_410 = tpu.memref_slice %arg2[%dma_start3A_408, %dma_start3A_409] : memref<1000000x64xf32, #tpu.memory_space<hbm>> -> memref<1000000x64xf32, #tpu.memory_space<hbm>>
        tpu.enqueue_indirect_dma source(%dma_start3A_410 : memref<1000000x64xf32, #tpu.memory_space<hbm>>) target(%arg6 : memref<128x64xf32, #tpu.memory_space<vmem>>) offsets(%dma_start3A_407 : memref<128xi32, #tpu.memory_space<vmem>>) semaphore(%arg10 : memref<!tpu.dma_semaphore, #tpu.memory_space<semaphore_mem>>)
      } else {
      }
      %parallel_loop3A_316 = arith.constant 0 : i32
      %parallel_loop3A_317 = arith.constant 128 : i32
      %parallel_loop3A_318 = arith.constant 1 : i32
      scf.for %parallel_loop3A_362 = %parallel_loop3A_316 to %parallel_loop3A_317 step %parallel_loop3A_318  : i32 {
        %parallel_loop3A_363 = vector.broadcast %parallel_loop3A_362 : i32 to vector<16xi32>
        %parallel_loop3A_364 = arith.addi %broadcast_in_dim3A_1, %parallel_loop3A_363 : vector<16xi32>
        %parallel_loop3A_365 = arith.index_cast %parallel_loop3A_362 : i32 to index
        %parallel_loop3A_366 = arith.constant 0 : index
        %parallel_loop3A_367 = tpu.vector_load %arg7[%parallel_loop3A_365, %parallel_loop3A_366] {strides = array<i32>} : memref<128x64xf32, #tpu.memory_space<vmem>>, vector<16xf32>,
        tpu.vector_store_idx %arg9[%select_n3A, %select_n3A_152, %parallel_loop3A_364], %parallel_loop3A_367 : memref<8x8x129xf32, #tpu.memory_space<vmem>>[vector<16xi32>, vector<16xi32>, vector<16xi32>], vector<16xf32>,
        %parallel_loop3A_368 = arith.index_cast %parallel_loop3A_362 : i32 to index
        %parallel_loop3A_369 = arith.constant 16 : index
        %parallel_loop3A_370 = tpu.vector_load %arg7[%parallel_loop3A_368, %parallel_loop3A_369] {strides = array<i32>} : memref<128x64xf32, #tpu.memory_space<vmem>>, vector<16xf32>,
        tpu.vector_store_idx %arg9[%select_n3A_61, %select_n3A_177, %parallel_loop3A_364], %parallel_loop3A_370 : memref<8x8x129xf32, #tpu.memory_space<vmem>>[vector<16xi32>, vector<16xi32>, vector<16xi32>], vector<16xf32>,
        %parallel_loop3A_371 = arith.index_cast %parallel_loop3A_362 : i32 to index
        %parallel_loop3A_372 = arith.constant 32 : index
        %parallel_loop3A_373 = tpu.vector_load %arg7[%parallel_loop3A_371, %parallel_loop3A_372] {strides = array<i32>} : memref<128x64xf32, #tpu.memory_space<vmem>>, vector<16xf32>,
        tpu.vector_store_idx %arg9[%select_n3A_95, %select_n3A_202, %parallel_loop3A_364], %parallel_loop3A_373 : memref<8x8x129xf32, #tpu.memory_space<vmem>>[vector<16xi32>, vector<16xi32>, vector<16xi32>], vector<16xf32>,
        %parallel_loop3A_374 = arith.index_cast %parallel_loop3A_362 : i32 to index
        %parallel_loop3A_375 = arith.constant 48 : index
        %parallel_loop3A_376 = tpu.vector_load %arg7[%parallel_loop3A_374, %parallel_loop3A_375] {strides = array<i32>} : memref<128x64xf32, #tpu.memory_space<vmem>>, vector<16xf32>,
        tpu.vector_store_idx %arg9[%select_n3A_129, %select_n3A_227, %parallel_loop3A_364], %parallel_loop3A_376 : memref<8x8x129xf32, #tpu.memory_space<vmem>>[vector<16xi32>, vector<16xi32>, vector<16xi32>], vector<16xf32>,
      } {sc.loop_unroll_factor = 8 : i64, sc.parallel_access}
      %jit3A_319 = arith.constant 50 : i32
      %eq3A_320 = arith.constant 0 : i32
      %eq3A_321 = arith.cmpi eq, %jit3A_319, %eq3A_320 : i32
      %jit3A_322 = arith.constant 1 : i32
      %select_n3A_323 = arith.select %eq3A_321, %jit3A_322, %jit3A_319 : i32
      %rem3A_324 = arith.remsi %add3A_303, %select_n3A_323 : i32
      %ne3A_325 = arith.constant 0 : i32
      %ne3A_326 = arith.cmpi ne, %rem3A_324, %ne3A_325 : i32
      %lt3A_327 = arith.constant 0 : i32
      %lt3A_328 = arith.cmpi slt, %rem3A_324, %lt3A_327 : i32
      %lt3A_329 = arith.constant 0 : i32
      %lt3A_330 = arith.cmpi slt, %select_n3A_323, %lt3A_329 : i32
      %ne3A_331 = arith.xori %lt3A_328, %lt3A_330 : i1
      %and3A_332 = arith.andi %ne3A_331, %ne3A_326 : i1
      %add3A_333 = arith.addi %rem3A_324, %select_n3A_323 : i32
      %select_n3A_334 = arith.select %and3A_332, %add3A_333, %rem3A_324 : i32
      %mul3A_335 = arith.constant 4 : i32
      %mul3A_336 = arith.muli %add3A, %mul3A_335 : i32
      %jit3A_337 = arith.constant 50 : i32
      %div3A_338 = arith.divsi %add3A_303, %jit3A_337 : i32
      %sign3A_339 = arith.constant 0 : i32
      %sign3A_340 = arith.cmpi sgt, %add3A_303, %sign3A_339 : i32
      %sign3A_341 = arith.extui %sign3A_340 : i1 to i32
      %sign3A_342 = arith.constant 0 : i32
      %sign3A_343 = arith.cmpi slt, %add3A_303, %sign3A_342 : i32
      %sign3A_344 = arith.extui %sign3A_343 : i1 to i32
      %sign3A_345 = arith.subi %sign3A_341, %sign3A_344 : i32
      %sign3A_346 = arith.constant 0 : i32
      %sign3A_347 = arith.cmpi sgt, %jit3A_337, %sign3A_346 : i32
      %sign3A_348 = arith.extui %sign3A_347 : i1 to i32
      %sign3A_349 = arith.constant 0 : i32
      %sign3A_350 = arith.cmpi slt, %jit3A_337, %sign3A_349 : i32
      %sign3A_351 = arith.extui %sign3A_350 : i1 to i32
      %sign3A_352 = arith.subi %sign3A_348, %sign3A_351 : i32
      %ne3A_353 = arith.cmpi ne, %sign3A_345, %sign3A_352 : i32
      %rem3A_354 = arith.remsi %add3A_303, %jit3A_337 : i32
      %ne3A_355 = arith.constant 0 : i32
      %ne3A_356 = arith.cmpi ne, %rem3A_354, %ne3A_355 : i32
      %and3A_357 = arith.andi %ne3A_353, %ne3A_356 : i1
      %sub3A_358 = arith.constant 1 : i32
      %sub3A_359 = arith.subi %div3A_338, %sub3A_358 : i32
      %select_n3A_360 = arith.select %and3A_357, %sub3A_359, %div3A_338 : i32
      %add3A_361 = arith.addi %mul3A_336, %select_n3A_360 : i32
      "tpu.region"() ({
        %run_scoped3A = tpu.sem_alloc : memref<!tpu.dma_semaphore, #tpu.memory_space<semaphore_mem>>
        %dma_start3A_362 = arith.constant 0 : i32
        %dma_start3A_363 = arith.constant 0 : i32
        %dma_start3A_364 = arith.constant 0 : i32
        %dma_start3A_365 = tpu.memref_slice %arg9[%dma_start3A_362, %dma_start3A_363, %dma_start3A_364] : memref<8x8x129xf32, #tpu.memory_space<vmem>> -> memref<8x8x128xf32, #tpu.memory_space<vmem>>
        %dma_start3A_366 = arith.constant 0 : i32
        %dma_start3A_367 = arith.constant 0 : i32
        %dma_start3A_368 = arith.constant 0 : i32
        %dma_start3A_369 = tpu.memref_slice %arg4[%select_n3A_334, %dma_start3A_366, %add3A_361, %dma_start3A_367, %dma_start3A_368] : memref<50x8x128x8x128xf32, #tpu.memory_space<hbm>> -> memref<1x8x1x8x128xf32, #tpu.memory_space<hbm>>
        %dma_start3A_370 = tpu.memref_squeeze %dma_start3A_369 : memref<1x8x1x8x128xf32, #tpu.memory_space<hbm>> -> memref<8x8x128xf32, #tpu.memory_space<hbm>>
        %dma_start3A_371 = arith.constant 0 : i32
        %dma_start3A_372 = arith.constant 0 : i32
        %dma_start3A_373 = arith.constant 0 : i32
        %dma_start3A_374 = tpu.memref_slice %arg4[%select_n3A_334, %dma_start3A_371, %add3A_361, %dma_start3A_372, %dma_start3A_373] : memref<50x8x128x8x128xf32, #tpu.memory_space<hbm>> -> memref<1x8x1x8x128xf32, #tpu.memory_space<hbm>>
        %dma_start3A_375 = tpu.memref_squeeze %dma_start3A_374 : memref<1x8x1x8x128xf32, #tpu.memory_space<hbm>> -> memref<8x8x128xf32, #tpu.memory_space<hbm>>
        %dma_start3A_376 = arith.constant 0 : i32
        %dma_start3A_377 = arith.constant 0 : i32
        %dma_start3A_378 = arith.constant 0 : i32
        %dma_start3A_379 = tpu.memref_slice %arg9[%dma_start3A_376, %dma_start3A_377, %dma_start3A_378] : memref<8x8x129xf32, #tpu.memory_space<vmem>> -> memref<8x8x128xf32, #tpu.memory_space<vmem>>
        tpu.enqueue_dma source(%dma_start3A_379 : memref<8x8x128xf32, #tpu.memory_space<vmem>>) target(%dma_start3A_375 : memref<8x8x128xf32, #tpu.memory_space<hbm>>) target_semaphore(%run_scoped3A : memref<!tpu.dma_semaphore, #tpu.memory_space<semaphore_mem>>)
        %dma_wait3A_380 = arith.constant 0 : i32
        %dma_wait3A_381 = arith.constant 0 : i32
        %dma_wait3A_382 = arith.constant 0 : i32
        %dma_wait3A_383 = tpu.memref_slice %arg9[%dma_wait3A_380, %dma_wait3A_381, %dma_wait3A_382] : memref<8x8x129xf32, #tpu.memory_space<vmem>> -> memref<8x8x128xf32, #tpu.memory_space<vmem>>
        %dma_wait3A_384 = arith.constant 0 : i32
        %dma_wait3A_385 = arith.constant 0 : i32
        %dma_wait3A_386 = arith.constant 0 : i32
        %dma_wait3A_387 = tpu.memref_slice %arg4[%select_n3A_334, %dma_wait3A_384, %add3A_361, %dma_wait3A_385, %dma_wait3A_386] : memref<50x8x128x8x128xf32, #tpu.memory_space<hbm>> -> memref<1x8x1x8x128xf32, #tpu.memory_space<hbm>>
        %dma_wait3A_388 = tpu.memref_squeeze %dma_wait3A_387 : memref<1x8x1x8x128xf32, #tpu.memory_space<hbm>> -> memref<8x8x128xf32, #tpu.memory_space<hbm>>
        %dma_wait3A_389 = arith.constant 0 : i32
        %dma_wait3A_390 = arith.constant 0 : i32
        %dma_wait3A_391 = arith.constant 0 : i32
        %dma_wait3A_392 = tpu.memref_slice %arg4[%select_n3A_334, %dma_wait3A_389, %add3A_361, %dma_wait3A_390, %dma_wait3A_391] : memref<50x8x128x8x128xf32, #tpu.memory_space<hbm>> -> memref<1x8x1x8x128xf32, #tpu.memory_space<hbm>>
        %dma_wait3A_393 = tpu.memref_squeeze %dma_wait3A_392 : memref<1x8x1x8x128xf32, #tpu.memory_space<hbm>> -> memref<8x8x128xf32, #tpu.memory_space<hbm>>
        %dma_wait3A_394 = arith.constant 0 : i32
        %dma_wait3A_395 = arith.constant 0 : i32
        %dma_wait3A_396 = arith.constant 0 : i32
        %dma_wait3A_397 = tpu.memref_slice %arg9[%dma_wait3A_394, %dma_wait3A_395, %dma_wait3A_396] : memref<8x8x129xf32, #tpu.memory_space<vmem>> -> memref<8x8x128xf32, #tpu.memory_space<vmem>>
        tpu.wait_dma2 semaphore(%run_scoped3A : memref<!tpu.dma_semaphore, #tpu.memory_space<semaphore_mem>>) src(%dma_wait3A_397 : memref<8x8x128xf32, #tpu.memory_space<vmem>>) dst(%dma_wait3A_393 : memref<8x8x128xf32, #tpu.memory_space<hbm>>)
        tpu.yield
      }) : () -> ()
    }
    %scan3A_240 = arith.constant 100 : i32
    return
  }
}

</mosaic_0001>

<sc_bundles>
// kernel: kernel.3.cloned.1.call-start
scs
__scs_entry_jumppad:
0x0: {  	(pc) =	sbr.rel $0x88, $3  }
0x1: {  	(tag) =	ssettag $0x0;
	lr =	simm.s32 $0x1  }
0x2: {  	[smem:$0x3F9F] =	sst lr;
	_ =	strace $0xD0000000  }
0x3: {  	_ = 	snop  }
0x4: {  	_ = 	snop  }
0x5: {  	_ = 	snop  }
0x6: {  	_ = 	snop  }
0x7: {  	_ = 	snop  }
__scs_overlays_trampoline_lowered:
0x8: {  	[smem:$0x3FAE] =	sst s0  }
0x9: {  	[smem:$0x3FAF] =	sst s1  }
0xa: {  	[smem:$0x3FB0] =	sst s2  }
0xb: {  	[smem:$0x3FB1] =	sst s3  }
0xc: {  	[smem:$0x3FB2] =	sst s4  }
0xd: {  	[smem:$0x3FB3] =	sst s5  }
0xe: {  	[smem:$0x3FB4] =	sst s6  }
0xf: {  	[smem:$0x3FB5] =	sst s7  }
0x10: {  	[smem:$0x3FB6] =	sst s8  }
0x11: {  	[smem:$0x3FB7] =	sst s9;
	s0 =	simm.s32 @!p0 $0x0  }
0x12: {  	s1 =	sld [smem:$0x3F9D];
	s0 =	simm.s32 @p0 $0x1  }
0x13: {  	[smem:$0x3FB8] =	sst s0;
	s0 =	simm.s32 @!p1 $0x0  }
0x14: {  	s2 =	sld [smem:$0x3F9C];
	s0 =	simm.s32 @p1 $0x1  }
0x15: {  	[smem:$0x3FB9] =	sst s0;
	s0 =	simm.s32 @!p2 $0x0  }
0x16: {  	s3 =	sld [smem:$0x3FDB];
	s0 =	simm.s32 @p2 $0x1  }
0x17: {  	s4 =	simm.s32 $0x1BF5;
	[smem:$0x3FBB] =	sst s0  }
0x18: {  	s0 =	sld [smem:$0x3F9E];
	_ =	swait.ge [sflag:s4], $0x0  }
0x19: {  	s7 =	sld [smem:$0x3F9F]  }
0x1a: {  	s8 =	sadd.s32 $0xFFFFE003, lr  }
0x1b: {  	s9 =	sadd.s32 $0xFFFFFEF7, lr;
	s5 =	simm.s32 $0xFFFFFFFF;
	p2 =	slt.u32 s8, $0xFFFFF086  }
0x1c: {  	p1 =	slt.u32 s9, $0xF7A;
	s5 =	simm.s32 @!p2 $0x0  }
0x1d: {  	s5 =	simm.s32 @p1 $0x1;
	p0 =	seq.s32 s7, s2  }
0x1e: {  	s7 =	smul.u32 @!p0 $0xF7A, s2;
	p2 =	seq.s32 @!p0 s5, $0x0  }
0x1f: {  	s9 =	smul.u32 $0xF7A, s1;
	s8 =	simm.s32 @!p0 $0x1BF5;
	p2 =	por !p2, p0  }
0x20: {  	[sflag:s8] =	ssyncset.s32 @!p0 $0xFFFFF086;
	s6 =	sadd.s32 @!p0 s3, s7;
	s7 =	simm.s32 @!p0 $0x108  }
0x21: {  	s3 =	sadd.s32 s3, s9;
	s6 =	sadd.s32 @!p0 $0x88, s6;
	s7 =	simm.s32 @p2 $0x1082  }
0x22: {  	[simem:s7], [sflag:s8] =	dma.local @!p0 [hbm:s6], $0xF7A  }
0x23: {  	s9 =	sor.u32 $0xD0000000, s2;
	s6 =	simm.s32 $0x108;
	_ =	swait.ge @!p0 [sflag:s8], $0x0  }
0x24: {  	s3 =	sadd.s32 $0x88, s3;
	s6 =	simm.s32 @!p1 $0x1082;
	[sflag:s4] =	ssyncset.s32 $0xFFFFF086  }
0x25: {  	[simem:s6], [sflag:s4] =	dma.local [hbm:s3], $0xF7A  }
0x26: {  	[smem:$0x3F9F] =	sst s1;
	(tag) =	ssettag s2;
	_ =	strace s9  }
0x27: {  	s1 =	sld [smem:$0x3FAF]  }
0x28: {  	s2 =	sld [smem:$0x3FB0]  }
0x29: {  	s4 =	sld [smem:$0x3FB2]  }
0x2a: {  	p0 =	seq.s32 s5, $0x0;
	s5 =	sld [smem:$0x3FB3]  }
0x2b: {  	s6 =	sld [smem:$0x3FB4]  }
0x2c: {  	s7 =	sld [smem:$0x3FB5]  }
0x2d: {  	s3 =	simm.s32 $0x108;
	s8 =	sld [smem:$0x3FB6]  }
0x2e: {  	s3 =	simm.s32 @!p0 $0x1082;
	s9 =	sld [smem:$0x3FB7]  }
0x2f: {  	lr =	sadd.s32 s0, s3;
	s0 =	sld [smem:$0x3FAE]  }
0x30: {  	s3 =	sld [smem:$0x3FB1]  }
0x31: {  	[smem:$0x3FBA] =	sst s10  }
0x32: {  	s10 =	sld [smem:$0x3FB8];
	_ =	sdelay $0x3  }
0x33: {  	p0 =	seq.s32 s10, $0x1;
	s10 =	sld [smem:$0x3FBA];
	_ =	sdelay $0x3  }
0x34: {  	[smem:$0x3FBA] =	sst s10  }
0x35: {  	s10 =	sld [smem:$0x3FB9];
	_ =	sdelay $0x3  }
0x36: {  	p1 =	seq.s32 s10, $0x1;
	s10 =	sld [smem:$0x3FBA];
	_ =	sdelay $0x3  }
0x37: {  	[smem:$0x3FBA] =	sst s10  }
0x38: {  	s10 =	sld [smem:$0x3FBB]  }
0x39: {  	_ = 	snop;
	(pc) =	sbr.ind lr, $3  }
0x3a: {  	_ = 	snop  }
0x3b: {  	_ = 	snop  }
0x3c: {  	p2 =	seq.s32 s10, $0x1;
	s10 =	sld [smem:$0x3FBA]  }
0x3d: {  	_ =	shalt  }
0x3e: {  	_ =	shalt  }
0x3f: {  	_ =	shalt  }
0x40: {  	_ =	shalt  }
0x41: {  	_ =	shalt  }
0x42: {  	_ =	shalt  }
0x43: {  	_ =	shalt  }
0x44: {  	_ =	shalt  }
0x45: {  	_ =	shalt  }
0x46: {  	_ =	shalt  }
0x47: {  	_ =	shalt  }
0x48: {  	_ =	shalt  }
0x49: {  	_ =	shalt  }
0x4a: {  	_ =	shalt  }
0x4b: {  	_ =	shalt  }
0x4c: {  	_ =	shalt  }
0x4d: {  	_ =	shalt  }
0x4e: {  	_ =	shalt  }
0x4f: {  	_ =	shalt  }
0x50: {  	_ =	shalt  }
0x51: {  	_ =	shalt  }
0x52: {  	_ =	shalt  }
0x53: {  	_ =	shalt  }
0x54: {  	_ =	shalt  }
0x55: {  	_ =	shalt  }
0x56: {  	_ =	shalt  }
0x57: {  	_ =	shalt  }
0x58: {  	_ =	shalt  }
0x59: {  	_ =	shalt  }
0x5a: {  	_ =	shalt  }
0x5b: {  	_ =	shalt  }
0x5c: {  	_ =	shalt  }
0x5d: {  	_ =	shalt  }
0x5e: {  	_ =	shalt  }
0x5f: {  	_ =	shalt  }
0x60: {  	_ =	shalt  }
0x61: {  	_ =	shalt  }
0x62: {  	_ =	shalt  }
0x63: {  	_ =	shalt  }
0x64: {  	_ =	shalt  }
0x65: {  	_ =	shalt  }
0x66: {  	_ =	shalt  }
0x67: {  	_ =	shalt  }
0x68: {  	_ =	shalt  }
0x69: {  	_ =	shalt  }
0x6a: {  	_ =	shalt  }
0x6b: {  	_ =	shalt  }
0x6c: {  	_ =	shalt  }
0x6d: {  	_ =	shalt  }
0x6e: {  	_ =	shalt  }
0x6f: {  	_ =	shalt  }
0x70: {  	_ =	shalt  }
0x71: {  	_ =	shalt  }
0x72: {  	_ =	shalt  }
0x73: {  	_ =	shalt  }
0x74: {  	_ =	shalt  }
0x75: {  	_ =	shalt  }
0x76: {  	_ =	shalt  }
0x77: {  	_ =	shalt  }
0x78: {  	_ =	shalt  }
0x79: {  	_ =	shalt  }
0x7a: {  	_ =	shalt  }
0x7b: {  	_ =	shalt  }
0x7c: {  	_ =	shalt  }
0x7d: {  	_ =	shalt  }
0x7e: {  	_ =	shalt  }
0x7f: {  	_ =	shalt  }
0x80: {  	_ =	shalt  }
0x81: {  	_ =	shalt  }
0x82: {  	_ =	shalt  }
0x83: {  	_ =	shalt  }
0x84: {  	_ =	shalt  }
0x85: {  	_ =	shalt  }
0x86: {  	_ =	shalt  }
0x87: {  	_ =	shalt  }
.Lfunc_end0:
.L_simem_size_0:
called_computation_lowered:
.L_overlay_start_0:
0x88: {  	s2 =	sld [smem:$0x3FD9]  }
0x89: {  	s3 =	sld [smem:$0x3FFE];
	_ =	sdelay $0x1  }
0x8a: {  	s1 =	srdreg.scid  }
0x8b: {  	s0 =	sand.u32 $0x1, s1  }
0x8c: {  	s17 =	sshll.u32 s0, $0xA;
	s2 =	sadd.s32 s3, s2  }
0x8d: {  	s2 =	sadd.s32 s2, s17  }
0x8e: {  	[smem:$0x3FC6] =	sst s2  }
0x8f: {  	_ = 	snop  }
0x90: {  	s2 =	sld [smem:$0x3FD0];
	(tm) =	ssettm $0x1  }
0x91: {  	s18 =	sld [smem:$0x3FFB];
	_ =	sdelay $0x3  }
0x92: {  	_ =	strace s18  }
0x93: {  	s3 =	sld [smem:$0x3FFC];
	_ =	sdelay $0x3  }
0x94: {  	_ =	strace s3  }
0x95: {  	s3 =	sld [smem:$0x3FFD];
	_ =	sdelay $0x3  }
0x96: {  	_ =	strace s3  }
0x97: {  	_ =	strace $0x8FFFFFFF  }
0x98: {  	s19 =	sld [smem:$0x3FDB];
	_ =	sdelay $0x1  }
0x99: {  	s4 =	simm.s32 $_scs_section_size  }
0x9a: {  	s5 =	simm.s32 $_size__tile_overlayer_lowered;
	s6 =	simm.s32 $_tile_overlayer_lowered  }
0x9b: {  	s22 =	simm.s32 $0x1BFF;
	s21 =	sshll.u32 s6, $0x1;
	s3 =	sadd.s32 s4, s19  }
0x9c: {  	s7 =	simm.s32 $0x0;
	s20 =	sshll.u32 s5, $0x1;
	s5 =	sadd.s32 s21, s3  }
0x9d: {  	[timem:s7], [sflag:s22] =	dma.local [hbm:s5], s20  }
0x9e: {  	_ =	swait.ge [sflag:s22], s20  }
0x9f: {  	s4 =	ssub.s32 $0x0, s20;
	[sflag:s22] =	ssyncset.done $0x0  }
0xa0: {  	[sflag:s22] =	ssyncadd.s32 s4;
	_ =	sdelay $0x1  }
0xa1: {  	s23 =	simm.s32 $0x1B8B  }
0xa2: {  	_ =	swait.ge [sflag:s23], $0x1  }
0xa3: {  	[sflag:s23] =	ssyncset.done $0x0  }
0xa4: {  	s25 =	simm.s32 $0x1B8E;
	s24 =	sld [smem:$0x3FFE];
	[sflag:s23] =	ssyncadd.s32 $0xFFFFFFFF  }
0xa5: {  	s26 =	simm.s32 $execute0_lowered;
	[smem:$0x3FD2] =	sst s25  }
0xa6: {  	s5 =	sshll.u32 s26, $0x1;
	_ =	strace $0x80000046;
	[dreg:$0x1] =	wrdreg $0xFFFFFFFF  }
0xa7: {  	s28 =	simm.s32 $_size_execute0_lowered;
	s3 =	sadd.s32 s3, s5;
	[dreg:$0x0] =	wrdreg $0x0  }
0xa8: {  	s5 =	sshll.u32 s28, $0x1;
	[dreg:$0x2] =	wrdreg s3  }
0xa9: {  	[dreg:$0x3] =	wrdreg s5  }
0xaa: {  	[dreg:$0x4] =	wrdreg $0xC0  }
0xab: {  	_ =	task [dreg:s7], $0x5FFFF  }
0xac: {  	[dreg:$0x1] =	wrdreg $0xFFFFFFFF  }
0xad: {  	[dreg:$0x0] =	wrdreg $0x60  }
0xae: {  	[dreg:$0x2] =	wrdreg s24  }
0xaf: {  	[dreg:$0x3] =	wrdreg s2  }
0xb0: {  	[dreg:$0x4] =	wrdreg $0x9  }
0xb1: {  	_ =	task.clear_ibuf [dreg:s7], $0x5FFFF;
	_ =	strace $0x90000046  }
0xb2: {  	s29 =	simm.s32 $0x9;
	_ =	strace $0x80000048  }
0xb3: {  	_ =	swait.ge [sflag:s29], $0x1  }
0xb4: {  	[sflag:s29] =	ssyncadd.s32 $0xFFFFFFFF  }
0xb5: {  	_ =	strace $0x90000048  }
0xb6: {  	_ =	sfence  }
0xb7: {  	s30 =	sld [smem:$0x0];
	_ =	sdelay $0x2  }
0xb8: {  	s31 =	sshll.u32 s1, $0xD;
	s1 =	sshrl.u32 s1, $0x2  }
0xb9: {  	s3 =	sand.u32 $0x4000, s31;
	s1 =	sadd.s32 s1, s30  }
0xba: {  	s0 =	sor.u32 s3, s0;
	s1 =	sshll.u32 s1, $0x11  }
0xbb: {  	s0 =	sor.u32 s1, s0  }
0xbc: {  	s0 =	sadd.s32 $0x8F2B, s0  }
0xbd: {  	[sflag:s0] =	ssyncadd.remote.s32 $0x1  }
0xbe: {  	_ =	sfence.sel $0xFFFF  }
0xbf: {  	[dreg:$0x0] =	wrdreg $0xFFFFFFFF;
	(pc) =	sbr.abs _section_cstart, $3  }
0xc0: {  	[dreg:$0x1] =	wrdreg $0xFFFFFFFF  }
0xc1: {  	_ =	task.clear_ibuf [dreg:s7], $0x2FFFF;
	_ =	strace $0x9FFFFFFF  }
0xc2: {  	(tm) =	ssettm $0x7FFFFFFF  }
0xc3: {  	_ =	shalt  }
tec
execute0_lowered:
.L_overlay_start_1:
0x0: {  	(tag) =	ssettag $0x1  }
0x1: {  	v0 =	vlaneseq.u32  }
0x2: {  	v0 =	vmul.u32 $0x88, v0  }
0x3: {  	s5 =	rddreg [dreg:$0x0];
	v1 =	vimm.s32 $0x0;
	vm0 =	vcmask $0x300  }
0x4: {  	s1 =	rddreg [dreg:$0x1];
	v1 =	vsel vm0, $0x3, v1;
	v2 =	vadd.s32 $0x880, v0  }
0x5: {  	s0 =	rddreg [dreg:$0x2];
	s4 =	srdreg.scid;
	v3 =	vadd.s32 $0x1100, v0;
	v4 =	vadd.s32 $0x1980, v0;
	v5 =	vor.u32 $0x1, v0  }
0x6: {  	s2 =	stileid.u32;
	s3 =	simm.s32 $0x0;
	s9 =	simm.s32 $0x4000;
	v6 =	vadd.s32 $0x881, v0;
	v7 =	vadd.s32 $0x1101, v0;
	v8 =	vadd.s32 $0x1981, v0  }
0x7: {  	s10 =	simm.s32 $0x3;
	s11 =	simm.s32 $0x80;
	s12 =	simm.s32 $0x6400;
	v9 =	vor.u32 $0x2, v0;
	v10 =	vadd.s32 $0x882, v0;
	v11 =	vadd.s32 $0x1102, v0  }
0x8: {  	s13 =	simm.s32 $0x1;
	s14 =	simm.s32 $0x8400;
	s15 =	simm.s32 $0xA400;
	v12 =	vadd.s32 $0x1982, v0;
	v13 =	vor.u32 $0x3, v0;
	v14 =	vadd.s32 $0x883, v0  }
0x9: {  	s16 =	simm.s32 $0x2;
	s17 =	simm.s32 $0xC600;
	s18 =	simm.s32 $0x0;
	v15 =	vadd.s32 $0x1103, v0;
	v16 =	vadd.s32 $0x1983, v0;
	v17 =	vor.u32 $0x4, v0  }
0xa: {  	s4 =	sand.u32 $0x1, s4;
	s6 =	sshll.u32 s2, $0x1;
	[smem:$0x7FF] =	sst s3;
	v18 =	vadd.s32 $0x884, v0;
	v19 =	vadd.s32 $0x1104, v0;
	v20 =	vadd.s32 $0x1984, v0  }
0xb: {  	s6 =	sor.u32 s4, s6;
	_ =	strace $0x80000047;
	s8 =	ssub.s32 $0x2, s4;
	v21 =	vor.u32 $0x5, v0;
	v22 =	vadd.s32 $0x885, v0;
	v23 =	vadd.s32 $0x1105, v0  }
0xc: {  	s4 =	sadd.s32 $0xF42A00, s5;
	s7 =	sshll.u32 s6, $0x6;
	s31 =	sshrl.u32 s8, $0x1;
	v24 =	vadd.s32 $0x1985, v0;
	v25 =	vor.u32 $0x6, v0;
	v26 =	vadd.s32 $0x886, v0  }
0xd: {  	s6 =	sshll.u32 s6, $0x9;
	v27 =	vadd.s32 $0x1106, v0;
	v28 =	vadd.s32 $0x1986, v0;
	v29 =	vor.u32 $0x7, v0;
	s5 =	sadd.s32 s7, s5;
	s7 =	ssub.s32 s8, s31  }
0xe: {  	v30 =	vadd.s32 $0x887, v0;
	v31 =	vadd.s32 $0x1107, v0;
	v32 =	vadd.s32 $0x1987, v0;
	s8 =	simm.s32 $0x200;
	s5 =	sadd.s32 $0x600, s5;
	s7 =	smax.u32 s7, $0x1  }
.LBB2_1:
0xf: {  	[tilespmem:s3], [sflag:$0x3] =	stream.strided.gather [hbm4b:s5+s8], $0x6400, s9, s8, $0x38;
	[tilespmem:$0xE800] =	vst v63  }
0x10: {  	_ =	swait.ge [sflag:s10], $0x6400  }
0x11: {  	[sflag:s10] =	ssyncset.done $0x0  }
0x12: {  	s19 =	simm.s32 $0x0;
	[sflag:s10] =	ssyncadd.s32 $0xFFFF9C00  }
0x13: {  	[tilespmem:s12], [sflag:$0x1] =	stream.indirect.gather [hbm4b:s4+s11], $0x40, s3, s11, $0xb8;
	[tilespmem:$0xE800] =	vst v63  }
.LBB2_2:
0x14: {  	s21 =	sshllo.u32 s19, $0x1  }
0x15: {  	s20 =	smul.u32 $0x29, s21;
	_ =	sdelay $0x1  }
0x16: {  	_ =	swait.ge [sflag:s13], $0x2000;
	s20 =	sshrl.u32 s20, $0xB  }
0x17: {  	s22 =	smul.u32 $0x29, s19;
	s23 =	simm.s32 $0x0;
	s20 =	sand.u32 $0x1F, s20  }
0x18: {  	s30 =	simm.s32 $0x1;
	s24 =	simm.s32 $0x2;
	s20 =	smul.u32 $0x32, s20  }
0x19: {  	s31 =	simm.s32 $0x3;
	s26 =	simm.s32 $0x4;
	s25 =	simm.s32 $0x7;
	v33 =	vmov s23;
	v34 =	vmov s30;
	v35 =	vmov s24  }
0x1a: {  	s28 =	simm.s32 $0x5;
	v36 =	vmov s31;
	v37 =	vmov s26;
	v38 =	vmov s25;
	s22 =	sshrl.u32 s22, $0xA;
	s20 =	ssub.s32 s21, s20  }
0x1b: {  	v39 =	vmov s28;
	s30 =	simm.s32 $0x6;
	v33 =	vshrl.u32 v33, $0x3;
	v38 =	vshrl.u32 v38, $0x3;
	s22 =	sand.u32 $0x3F, s22;
	s20 =	sand.u32 $0xFF, s20  }
0x1c: {  	[sflag:s13] =	ssyncset.done $0x0;
	v40 =	vmov s30;
	v34 =	vshrl.u32 v34, $0x3;
	v35 =	vshrl.u32 v35, $0x3;
	s22 =	sshll.u32 s22, $0x7;
	s29 =	sshll.u32 s20, $0x9  }
0x1d: {  	[sflag:s13] =	ssyncadd.s32 $0xFFFFE000;
	v36 =	vshrl.u32 v36, $0x3;
	v37 =	vshrl.u32 v37, $0x3;
	v38 =	vshll.u32 v38, v1;
	s24 =	sadd.s32 s22, s29  }
0x1e: {  	v55 =	vshrl.u32 v39, $0x3;
	v33 =	vshll.u32 v33, v1;
	v38 =	vbroadcast v38, $0x0;
	[tilespmem:s14], [sflag:$0x2] =	stream.indirect.gather [hbm4b:s4+s11], $0x40, s24, s11, $0xb8;
	[tilespmem:$0xE800] =	vst v63  }
0x1f: {  	v34 =	vshll.u32 v34, v1;
	v51 =	vshll.u32 v35, v1;
	v33 =	vbroadcast v33, $0x0;
	s24 =	simm.s32 $0x6500  }
0x20: {  	v52 =	vshll.u32 v36, v1;
	v47 =	vbroadcast v34, $0x0;
	v42 =	vadd.s32 v29, v38;
	v41 =	vld [tilespmem:s24+$0xC0]  }
0x21: {  	v54 =	vshll.u32 v37, v1;
	v53 =	vbroadcast v51, $0x0;
	v44 =	vadd.s32 v0, v33;
	v43 =	vld [tilespmem:s24+$0xFFFFFF00]  }
0x22: {  	v36 =	vshll.u32 v55, v1;
	v35 =	vbroadcast v52, $0x0;
	v46 =	vadd.s32 v5, v47;
	v45 =	vld [tilespmem:s24+$0xFFFFFF40]  }
0x23: {  	v40 =	vshrl.u32 v40, $0x3;
	v34 =	vbroadcast v54, $0x0;
	v49 =	vadd.s32 v9, v53;
	v48 =	vld [tilespmem:s24+$0xFFFFFF80]  }
0x24: {  	v37 =	vbroadcast v36, $0x0;
	v56 =	vshll.u32 v40, v1;
	v50 =	vadd.s32 v13, v35;
	v39 =	vld [tilespmem:s24+$0xFFFFFFC0]  }
0x25: {  	v36 =	vbroadcast v56, $0x0;
	v52 =	vadd.s32 v17, v34;
	v51 =	vld [tilespmem:s24+$0x0];
	[tilespmem:v42+s15+$0x0] =	vst.idx.msk $0xffff, v41  }
0x26: {  	v60 =	vadd.s32 v21, v37;
	v59 =	vld [tilespmem:s24+$0x40];
	[tilespmem:v44+s15+$0x0] =	vst.idx.msk $0xffff, v43  }
0x27: {  	v62 =	vadd.s32 v25, v36;
	v61 =	vld [tilespmem:s24+$0x80];
	[tilespmem:v46+s15+$0x0] =	vst.idx.msk $0xffff, v45  }
0x28: {  	v58 =	vadd.s32 v30, v38;
	[tilespmem:v49+s15+$0x0] =	vst.idx.msk $0xffff, v48;
	v57 =	vld [tilespmem:s24+$0xD0]  }
0x29: {  	v63 =	vadd.s32 v6, v47;
	[tilespmem:v50+s15+$0x0] =	vst.idx.msk $0xffff, v39;
	v46 =	vld [tilespmem:s24+$0xFFFFFF50]  }
0x2a: {  	v55 =	vadd.s32 v10, v53;
	[tilespmem:v52+s15+$0x0] =	vst.idx.msk $0xffff, v51;
	v54 =	vld [tilespmem:s24+$0xFFFFFF90]  }
0x2b: {  	v56 =	vadd.s32 v14, v35;
	[tilespmem:v60+s15+$0x0] =	vst.idx.msk $0xffff, v59;
	v50 =	vld [tilespmem:s24+$0xFFFFFFD0]  }
0x2c: {  	[tilespmem:v62+s15+$0x0] =	vst.idx.msk $0xffff, v61;
	v45 =	vadd.s32 v22, v37;
	v44 =	vld [tilespmem:s24+$0x50]  }
0x2d: {  	v59 =	vadd.s32 v18, v34;
	[tilespmem:v58+s15+$0x0] =	vst.idx.msk $0xffff, v57;
	v58 =	vld [tilespmem:s24+$0x10]  }
0x2e: {  	v57 =	vadd.s32 v31, v38;
	[tilespmem:v63+s15+$0x0] =	vst.idx.msk $0xffff, v46;
	v40 =	vld [tilespmem:s24+$0xE0]  }
0x2f: {  	v60 =	vadd.s32 v26, v36;
	[tilespmem:v55+s15+$0x0] =	vst.idx.msk $0xffff, v54;
	v63 =	vld [tilespmem:s24+$0x90]  }
0x30: {  	v62 =	vadd.s32 v2, v33;
	v61 =	vld [tilespmem:s24+$0xFFFFFF10];
	[tilespmem:v56+s15+$0x0] =	vst.idx.msk $0xffff, v50  }
0x31: {  	v51 =	vadd.s32 v7, v47;
	[tilespmem:v45+s15+$0x0] =	vst.idx.msk $0xffff, v44;
	v50 =	vld [tilespmem:s24+$0xFFFFFF60]  }
0x32: {  	v56 =	vadd.s32 v11, v53;
	v55 =	vld [tilespmem:s24+$0xFFFFFFA0];
	[tilespmem:v59+s15+$0x0] =	vst.idx.msk $0xffff, v58  }
0x33: {  	v58 =	vadd.s32 v15, v35;
	[tilespmem:v57+s15+$0x0] =	vst.idx.msk $0xffff, v40;
	v57 =	vld [tilespmem:s24+$0xFFFFFFE0]  }
0x34: {  	[tilespmem:v60+s15+$0x0] =	vst.idx.msk $0xffff, v63;
	v60 =	vadd.s32 v19, v34;
	v59 =	vld [tilespmem:s24+$0x20]  }
0x35: {  	s25 =	simm.s32 $0x9;
	v38 =	vadd.s32 v32, v38;
	[tilespmem:v62+s15+$0x0] =	vst.idx.msk $0xffff, v61;
	v54 =	vld [tilespmem:s24+$0xF0]  }
0x36: {  	s31 =	simm.s32 $0x8;
	v41 =	vadd.s32 v23, v37;
	v52 =	vmov s25;
	[tilespmem:v51+s15+$0x0] =	vst.idx.msk $0xffff, v50;
	v40 =	vld [tilespmem:s24+$0x60]  }
0x37: {  	s28 =	simm.s32 $0xB;
	s29 =	simm.s32 $0xC;
	v43 =	vadd.s32 v27, v36;
	v48 =	vadd.s32 v3, v33;
	v63 =	vmov s31;
	v42 =	vld [tilespmem:s24+$0xA0];
	[tilespmem:v56+s15+$0x0] =	vst.idx.msk $0xffff, v55  }
0x38: {  	v44 =	vmov s28;
	v46 =	vmov s29;
	v45 =	vld [tilespmem:s24+$0xFFFFFF20];
	s31 =	simm.s32 $0xE;
	v39 =	vshrl.u32 v63, $0x3;
	[tilespmem:v58+s15+$0x0] =	vst.idx.msk $0xffff, v57  }
0x39: {  	s26 =	simm.s32 $0xA;
	s30 =	simm.s32 $0xD;
	v51 =	vadd.s32 v8, v47;
	v49 =	vld [tilespmem:s24+$0xFFFFFF70];
	v47 =	vshll.u32 v39, v1;
	v39 =	vmov s31;
	[tilespmem:v60+s15+$0x0] =	vst.idx.msk $0xffff, v59  }
0x3a: {  	s23 =	sshll.u32 s19, $0x1;
	s25 =	simm.s32 $0x10;
	v53 =	vadd.s32 v12, v53;
	v50 =	vld [tilespmem:s24+$0xFFFFFFB0];
	[tilespmem:v38+s15+$0x0] =	vst.idx.msk $0xffff, v54;
	v54 =	vmov s26;
	v38 =	vmov s30;
	s26 =	simm.s32 $0xF  }
.LBB2_3:
0x3b: {  	p0 =	slt.u32 s25, $0x78;
	v52 =	vshrl.u32 v52, $0x3;
	v55 =	vmov s26;
	v56 =	vld [tilespmem:s24+$0xFFFFFFF0];
	v35 =	vadd.s32 v16, v35;
	[tilespmem:v41+s15+$0x0] =	vst.idx.msk $0xffff, v40  }
0x3c: {  	v40 =	vshrl.u32 v54, $0x3;
	v34 =	vadd.s32 v20, v34;
	v41 =	vshrl.u32 v55, $0x3;
	v54 =	vld [tilespmem:s24+$0x30];
	[tilespmem:v43+s15+$0x0] =	vst.idx.msk $0xffff, v42  }
0x3d: {  	v37 =	vadd.s32 v24, v37;
	v42 =	vshrl.u32 v44, $0x3;
	v41 =	vshll.u32 v41, v1;
	[tilespmem:v48+s15+$0x0] =	vst.idx.msk $0xffff, v45;
	v43 =	vld [tilespmem:s24+$0x70]  }
0x3e: {  	v36 =	vadd.s32 v28, v36;
	v44 =	vshrl.u32 v46, $0x3;
	v41 =	vbroadcast v41, $0x0;
	[tilespmem:v51+s15+$0x0] =	vst.idx.msk $0xffff, v49;
	v45 =	vld [tilespmem:s24+$0xB0]  }
0x3f: {  	v46 =	vshll.u32 v52, v1;
	v49 =	vadd.s32 v4, v33;
	v33 =	vbroadcast v47, $0x0;
	v48 =	vld [tilespmem:s24+$0xFFFFFF30];
	[tilespmem:v53+s15+$0x0] =	vst.idx.msk $0xffff, v50;
	s24 =	sadd.s32 $0x200, s24  }
0x40: {  	v40 =	vshll.u32 v40, v1;
	v47 =	vbroadcast v46, $0x0;
	v46 =	vld [tilespmem:s24+$0xC0];
	v50 =	vadd.s32 v29, v41;
	[tilespmem:v35+s15+$0x0] =	vst.idx.msk $0xffff, v56  }
0x41: {  	v53 =	vbroadcast v40, $0x0;
	v52 =	vadd.s32 v0, v33;
	v35 =	vshll.u32 v42, v1;
	v51 =	vld [tilespmem:s24+$0xFFFFFF00];
	[tilespmem:v34+s15+$0x0] =	vst.idx.msk $0xffff, v54  }
0x42: {  	v42 =	vadd.s32 v5, v47;
	v35 =	vbroadcast v35, $0x0;
	v34 =	vshll.u32 v44, v1;
	v40 =	vld [tilespmem:s24+$0xFFFFFF40];
	[tilespmem:v37+s15+$0x0] =	vst.idx.msk $0xffff, v43  }
0x43: {  	v44 =	vadd.s32 v9, v53;
	v34 =	vbroadcast v34, $0x0;
	v37 =	vshrl.u32 v38, $0x3;
	v43 =	vld [tilespmem:s24+$0xFFFFFF80];
	[tilespmem:v36+s15+$0x0] =	vst.idx.msk $0xffff, v45  }
0x44: {  	v39 =	vshrl.u32 v39, $0x3;
	v45 =	vadd.s32 v13, v35;
	v36 =	vshll.u32 v37, v1;
	v38 =	vld [tilespmem:s24+$0xFFFFFFC0];
	[tilespmem:v49+s15+$0x0] =	vst.idx.msk $0xffff, v48  }
0x45: {  	v49 =	vadd.s32 v17, v34;
	v37 =	vbroadcast v36, $0x0;
	v36 =	vshll.u32 v39, v1;
	v48 =	vld [tilespmem:s24+$0x0];
	[tilespmem:v50+s15+$0x0] =	vst.idx.msk $0xffff, v46  }
0x46: {  	v36 =	vbroadcast v36, $0x0;
	v46 =	vadd.s32 v30, v41;
	[tilespmem:v52+s15+$0x0] =	vst.idx.msk $0xffff, v51;
	v39 =	vld [tilespmem:s24+$0xD0]  }
0x47: {  	[tilespmem:v42+s15+$0x0] =	vst.idx.msk $0xffff, v40;
	v40 =	vld [tilespmem:s24+$0x40];
	v42 =	vadd.s32 v21, v37  }
0x48: {  	[tilespmem:v44+s15+$0x0] =	vst.idx.msk $0xffff, v43;
	v43 =	vld [tilespmem:s24+$0x80];
	v44 =	vadd.s32 v25, v36  }
0x49: {  	v51 =	vadd.s32 v6, v47;
	v50 =	vld [tilespmem:s24+$0xFFFFFF50];
	[tilespmem:v45+s15+$0x0] =	vst.idx.msk $0xffff, v38  }
0x4a: {  	v45 =	vadd.s32 v10, v53;
	v38 =	vld [tilespmem:s24+$0xFFFFFF90];
	[tilespmem:v49+s15+$0x0] =	vst.idx.msk $0xffff, v48  }
0x4b: {  	v49 =	vadd.s32 v14, v35;
	v48 =	vld [tilespmem:s24+$0xFFFFFFD0];
	[tilespmem:v46+s15+$0x0] =	vst.idx.msk $0xffff, v39  }
0x4c: {  	[tilespmem:v42+s15+$0x0] =	vst.idx.msk $0xffff, v40;
	v39 =	vld [tilespmem:s24+$0xE0];
	v40 =	vadd.s32 v31, v41  }
0x4d: {  	v46 =	vadd.s32 v18, v34;
	v42 =	vld [tilespmem:s24+$0x10];
	[tilespmem:v44+s15+$0x0] =	vst.idx.msk $0xffff, v43  }
0x4e: {  	v44 =	vadd.s32 v22, v37;
	[tilespmem:v51+s15+$0x0] =	vst.idx.msk $0xffff, v50;
	v43 =	vld [tilespmem:s24+$0x50]  }
0x4f: {  	[tilespmem:v45+s15+$0x0] =	vst.idx.msk $0xffff, v38;
	v38 =	vld [tilespmem:s24+$0x90];
	v45 =	vadd.s32 v26, v36  }
0x50: {  	v51 =	vadd.s32 v2, v33;
	v50 =	vld [tilespmem:s24+$0xFFFFFF10];
	[tilespmem:v49+s15+$0x0] =	vst.idx.msk $0xffff, v48  }
0x51: {  	v49 =	vadd.s32 v7, v47;
	v48 =	vld [tilespmem:s24+$0xFFFFFF60];
	[tilespmem:v40+s15+$0x0] =	vst.idx.msk $0xffff, v39  }
0x52: {  	[tilespmem:v46+s15+$0x0] =	vst.idx.msk $0xffff, v42;
	v39 =	vld [tilespmem:s24+$0xF0];
	v46 =	vadd.s32 v32, v41  }
0x53: {  	v56 =	vadd.s32 v11, v53;
	v55 =	vld [tilespmem:s24+$0xFFFFFFA0];
	[tilespmem:v44+s15+$0x0] =	vst.idx.msk $0xffff, v43  }
0x54: {  	v58 =	vadd.s32 v15, v35;
	v57 =	vld [tilespmem:s24+$0xFFFFFFE0];
	[tilespmem:v45+s15+$0x0] =	vst.idx.msk $0xffff, v38  }
0x55: {  	v60 =	vadd.s32 v19, v34;
	[tilespmem:v51+s15+$0x0] =	vst.idx.msk $0xffff, v50;
	v59 =	vld [tilespmem:s24+$0x20]  }
.Ltmp0:
0x56: {  	s26 =	sadd.s32 $0x1, s25;
	v41 =	vadd.s32 v23, v37;
	v38 =	vmov s25;
	[tilespmem:v49+s15+$0x0] =	vst.idx.msk $0xffff, v48;
	v40 =	vld [tilespmem:s24+$0x60];
	(pc) =	sbr.rel @p0 .LBB2_3-.Ltmp0, $4  }
0x57: {  	s28 =	sadd.s32 $0x3, s25;
	v52 =	vmov s26;
	s26 =	sadd.s32 $0x2, s25;
	v43 =	vadd.s32 v27, v36;
	v50 =	vshrl.u32 v38, $0x3;
	v42 =	vld [tilespmem:s24+$0xA0];
	[tilespmem:v46+s15+$0x0] =	vst.idx.msk $0xffff, v39  }
0x58: {  	v54 =	vmov s26;
	s26 =	sadd.s32 $0x4, s25;
	v44 =	vmov s28;
	s28 =	sadd.s32 $0x5, s25;
	v48 =	vadd.s32 v3, v33;
	v45 =	vld [tilespmem:s24+$0xFFFFFF20];
	[tilespmem:v56+s15+$0x0] =	vst.idx.msk $0xffff, v55  }
0x59: {  	v38 =	vmov s28;
	v51 =	vadd.s32 v8, v47;
	v46 =	vmov s26;
	s26 =	sadd.s32 $0x6, s25;
	v49 =	vld [tilespmem:s24+$0xFFFFFF70];
	[tilespmem:v58+s15+$0x0] =	vst.idx.msk $0xffff, v57  }
0x5a: {  	v53 =	vadd.s32 v12, v53;
	v47 =	vshll.u32 v50, v1;
	v39 =	vmov s26;
	s26 =	sadd.s32 $0x7, s25;
	s25 =	sadd.s32 $0x8, s25;
	v50 =	vld [tilespmem:s24+$0xFFFFFFB0];
	[tilespmem:v60+s15+$0x0] =	vst.idx.msk $0xffff, v59  }
0x5b: {  	_ =	sdelay $0x2  }
0x5c: {  	v52 =	vshrl.u32 v52, $0x3  }
0x5d: {  	v55 =	vmov s26;
	v56 =	vld [tilespmem:s24+$0xFFFFFFF0];
	v35 =	vadd.s32 v16, v35;
	[tilespmem:v41+s15+$0x0] =	vst.idx.msk $0xffff, v40;
	v57 =	vshrl.u32 v54, $0x3  }
0x5e: {  	v59 =	vld [tilespmem:s24+$0x30];
	v34 =	vadd.s32 v20, v34;
	v60 =	vshrl.u32 v44, $0x3;
	v58 =	vshrl.u32 v55, $0x3;
	[tilespmem:v43+s15+$0x0] =	vst.idx.msk $0xffff, v42  }
0x5f: {  	v37 =	vadd.s32 v24, v37;
	v62 =	vshrl.u32 v46, $0x3;
	v61 =	vld [tilespmem:s24+$0x70];
	v41 =	vshll.u32 v58, v1;
	[tilespmem:v48+s15+$0x0] =	vst.idx.msk $0xffff, v45  }
0x60: {  	v36 =	vadd.s32 v28, v36;
	v46 =	vbroadcast v47, $0x0;
	v63 =	vld [tilespmem:s24+$0xB0];
	v41 =	vbroadcast v41, $0x0;
	[tilespmem:v51+s15+$0x0] =	vst.idx.msk $0xffff, v49  }
0x61: {  	v33 =	vadd.s32 v4, v33;
	s31 =	sadd.s32 $0x200, s24;
	v38 =	vshrl.u32 v38, $0x3;
	v55 =	vshll.u32 v52, v1;
	v48 =	vld [tilespmem:s24+$0xFFFFFF30];
	[tilespmem:v53+s15+$0x0] =	vst.idx.msk $0xffff, v50  }
0x62: {  	v40 =	vshll.u32 v57, v1;
	v47 =	vbroadcast v55, $0x0;
	v49 =	vld [tilespmem:s31+$0xC0];
	v50 =	vadd.s32 v29, v41;
	[tilespmem:v35+s15+$0x0] =	vst.idx.msk $0xffff, v56  }
0x63: {  	v42 =	vshll.u32 v60, v1;
	v40 =	vbroadcast v40, $0x0;
	v35 =	vld [tilespmem:s31+$0xFFFFFF00];
	v56 =	vadd.s32 v0, v46;
	[tilespmem:v34+s15+$0x0] =	vst.idx.msk $0xffff, v59  }
0x64: {  	v57 =	vld [tilespmem:s31+$0xFFFFFF40];
	v44 =	vshll.u32 v62, v1;
	v42 =	vbroadcast v42, $0x0;
	v58 =	vadd.s32 v5, v47;
	[tilespmem:v37+s15+$0x0] =	vst.idx.msk $0xffff, v61  }
0x65: {  	v38 =	vshll.u32 v38, v1;
	v44 =	vbroadcast v44, $0x0;
	v60 =	vadd.s32 v9, v40;
	v59 =	vld [tilespmem:s31+$0xFFFFFF80];
	[tilespmem:v36+s15+$0x0] =	vst.idx.msk $0xffff, v63  }
0x66: {  	v38 =	vbroadcast v38, $0x0;
	v62 =	vadd.s32 v13, v42;
	v61 =	vld [tilespmem:s31+$0xFFFFFFC0];
	[tilespmem:v33+s15+$0x0] =	vst.idx.msk $0xffff, v48  }
0x67: {  	v39 =	vshrl.u32 v39, $0x3;
	v63 =	vadd.s32 v17, v44;
	v33 =	vld [tilespmem:s31+$0x0];
	[tilespmem:v50+s15+$0x0] =	vst.idx.msk $0xffff, v49  }
0x68: {  	v39 =	vshll.u32 v39, v1;
	v34 =	vld [tilespmem:s31+$0x40];
	[tilespmem:v56+s15+$0x0] =	vst.idx.msk $0xffff, v35;
	v56 =	vadd.s32 v21, v38  }
0x69: {  	[tilespmem:v58+s15+$0x0] =	vst.idx.msk $0xffff, v57;
	v35 =	vbroadcast v39, $0x0;
	v49 =	vadd.s32 v30, v41;
	v39 =	vld [tilespmem:s31+$0xD0]  }
0x6a: {  	[tilespmem:v60+s15+$0x0] =	vst.idx.msk $0xffff, v59;
	v59 =	vld [tilespmem:s31+$0xFFFFFF50];
	v60 =	vadd.s32 v6, v47  }
0x6b: {  	v57 =	vld [tilespmem:s31+$0x80];
	[tilespmem:v62+s15+$0x0] =	vst.idx.msk $0xffff, v61;
	v58 =	vadd.s32 v25, v35  }
0x6c: {  	v61 =	vld [tilespmem:s31+$0xFFFFFF90];
	v62 =	vadd.s32 v10, v40;
	[tilespmem:v63+s15+$0x0] =	vst.idx.msk $0xffff, v33  }
0x6d: {  	v33 =	vld [tilespmem:s31+$0xFFFFFFD0];
	v63 =	vadd.s32 v14, v42;
	[tilespmem:v56+s15+$0x0] =	vst.idx.msk $0xffff, v34  }
0x6e: {  	v56 =	vadd.s32 v18, v44;
	[tilespmem:v49+s15+$0x0] =	vst.idx.msk $0xffff, v39;
	v49 =	vld [tilespmem:s31+$0x10]  }
0x6f: {  	[tilespmem:v60+s15+$0x0] =	vst.idx.msk $0xffff, v59;
	v39 =	vadd.s32 v31, v41;
	v34 =	vld [tilespmem:s31+$0xE0]  }
0x70: {  	[tilespmem:v58+s15+$0x0] =	vst.idx.msk $0xffff, v57;
	v57 =	vld [tilespmem:s31+$0x50];
	v58 =	vadd.s32 v22, v38  }
0x71: {  	[tilespmem:v62+s15+$0x0] =	vst.idx.msk $0xffff, v61;
	v61 =	vld [tilespmem:s31+$0xFFFFFF10];
	v62 =	vadd.s32 v2, v46  }
0x72: {  	v60 =	vadd.s32 v26, v35;
	v59 =	vld [tilespmem:s31+$0x90];
	[tilespmem:v63+s15+$0x0] =	vst.idx.msk $0xffff, v33  }
0x73: {  	v55 =	vadd.s32 v11, v40;
	v54 =	vadd.s32 v32, v41;
	v41 =	vld [tilespmem:s31+$0xFFFFFFA0];
	[tilespmem:v56+s15+$0x0] =	vst.idx.msk $0xffff, v49  }
0x74: {  	v53 =	vadd.s32 v7, v47;
	v63 =	vld [tilespmem:s31+$0xFFFFFF60];
	[tilespmem:v39+s15+$0x0] =	vst.idx.msk $0xffff, v34  }
0x75: {  	v56 =	vld [tilespmem:s31+$0xFFFFFFE0];
	[tilespmem:v58+s15+$0x0] =	vst.idx.msk $0xffff, v57;
	v57 =	vadd.s32 v15, v42  }
0x76: {  	[tilespmem:v62+s15+$0x0] =	vst.idx.msk $0xffff, v61;
	v34 =	vld [tilespmem:s31+$0xF0]  }
0x77: {  	v58 =	vld [tilespmem:s31+$0x20];
	[tilespmem:v60+s15+$0x0] =	vst.idx.msk $0xffff, v59;
	v59 =	vadd.s32 v19, v44  }
0x78: {  	v61 =	vadd.s32 v23, v38;
	[tilespmem:v55+s15+$0x0] =	vst.idx.msk $0xffff, v41;
	v60 =	vld [tilespmem:s31+$0x60]  }
0x79: {  	[tilespmem:v53+s15+$0x0] =	vst.idx.msk $0xffff, v63;
	v63 =	vadd.s32 v27, v35;
	v62 =	vld [tilespmem:s31+$0xA0]  }
0x7a: {  	v47 =	vadd.s32 v8, v47;
	v55 =	vld [tilespmem:s31+$0xFFFFFF70];
	[tilespmem:v57+s15+$0x0] =	vst.idx.msk $0xffff, v56  }
0x7b: {  	v53 =	vld [tilespmem:s31+$0xFFFFFF20];
	[tilespmem:v54+s15+$0x0] =	vst.idx.msk $0xffff, v34;
	v54 =	vadd.s32 v3, v46  }
0x7c: {  	v40 =	vadd.s32 v12, v40;
	v56 =	vld [tilespmem:s31+$0xFFFFFFB0];
	[tilespmem:v59+s15+$0x0] =	vst.idx.msk $0xffff, v58  }
0x7d: {  	v42 =	vadd.s32 v16, v42;
	v57 =	vld [tilespmem:s31+$0xFFFFFFF0];
	[tilespmem:v61+s15+$0x0] =	vst.idx.msk $0xffff, v60  }
0x7e: {  	s25 =	smulhi.u32 $0x51EB851F, s23;
	v59 =	vadd.s32 v20, v44;
	v58 =	vld [tilespmem:s31+$0x30];
	[tilespmem:v63+s15+$0x0] =	vst.idx.msk $0xffff, v62  }
0x7f: {  	v38 =	vadd.s32 v24, v38;
	v60 =	vld [tilespmem:s31+$0x70];
	[tilespmem:v47+s15+$0x0] =	vst.idx.msk $0xffff, v55  }
0x80: {  	s25 =	sshrl.u32 s25, $0x4;
	v35 =	vadd.s32 v28, v35;
	v61 =	vld [tilespmem:s31+$0xB0];
	[tilespmem:v54+s15+$0x0] =	vst.idx.msk $0xffff, v53  }
0x81: {  	s25 =	smul.u32 $0x32, s25;
	v63 =	vadd.s32 v4, v46;
	[tilespmem:v40+s15+$0x0] =	vst.idx.msk $0xffff, v56;
	v62 =	vld [tilespmem:s31+$0xFFFFFF30]  }
0x82: {  	[tilespmem:v42+s15+$0x0] =	vst.idx.msk $0xffff, v57  }
0x83: {  	s24 =	ssub.s32 s23, s25;
	[tilespmem:v59+s15+$0x0] =	vst.idx.msk $0xffff, v58  }
0x84: {  	s24 =	sshll.u32 s24, $0x11;
	[tilespmem:v38+s15+$0x0] =	vst.idx.msk $0xffff, v60  }
0x85: {  	s22 =	sadd.s32 s6, s22;
	s24 =	sadd.s32 s1, s24;
	[tilespmem:v35+s15+$0x0] =	vst.idx.msk $0xffff, v61  }
0x86: {  	s26 =	simm.s32 $0xA400;
	s25 =	sadd.s32 s22, s24;
	[tilespmem:v63+s15+$0x0] =	vst.idx.msk $0xffff, v62  }
0x87: {  	[hbm4b:s25+s3] =	stream.linear.scatter [tilespmem:s26], [sflag:$0x3], $0x80, $0x38;
	[tilespmem:$0xE800] =	vst v63  }
0x88: {  	s30 =	simm.s32 $0xA488;
	s31 =	sadd.s32 $0x10, s25  }
0x89: {  	[hbm4b:s31+s3] =	stream.linear.scatter [tilespmem:s30], [sflag:$0x3], $0x80, $0x38;
	[tilespmem:$0xE800] =	vst v63  }
0x8a: {  	s28 =	simm.s32 $0xA7B8;
	s30 =	simm.s32 $0xA510;
	s31 =	sadd.s32 $0x20, s25  }
0x8b: {  	[hbm4b:s31+s3] =	stream.linear.scatter [tilespmem:s30], [sflag:$0x3], $0x80, $0x38;
	[tilespmem:$0xE800] =	vst v63  }
0x8c: {  	s24 =	simm.s32 $0x440;
	s30 =	simm.s32 $0xA598;
	s31 =	sadd.s32 $0x30, s25  }
0x8d: {  	[hbm4b:s31+s3] =	stream.linear.scatter [tilespmem:s30], [sflag:$0x3], $0x80, $0x38;
	[tilespmem:$0xE800] =	vst v63  }
0x8e: {  	s29 =	sadd.s32 $0x70, s25;
	s30 =	simm.s32 $0xA620;
	s31 =	sadd.s32 $0x40, s25  }
0x8f: {  	[hbm4b:s31+s3] =	stream.linear.scatter [tilespmem:s30], [sflag:$0x3], $0x80, $0x38;
	[tilespmem:$0xE800] =	vst v63  }
0x90: {  	s26 =	simm.s32 $0x2200;
	s30 =	simm.s32 $0xA6A8;
	s31 =	sadd.s32 $0x50, s25  }
0x91: {  	[hbm4b:s31+s3] =	stream.linear.scatter [tilespmem:s30], [sflag:$0x3], $0x80, $0x38;
	[tilespmem:$0xE800] =	vst v63  }
0x92: {  	s30 =	simm.s32 $0xA730;
	s31 =	sadd.s32 $0x60, s25;
	s25 =	sadd.s32 $0x4000, s25  }
0x93: {  	[hbm4b:s31+s3] =	stream.linear.scatter [tilespmem:s30], [sflag:$0x3], $0x80, $0x38;
	[tilespmem:$0xE800] =	vst v63  }
.LBB2_5:
0x94: {  	[hbm4b:s29+s3] =	stream.linear.scatter [tilespmem:s28], [sflag:$0x3], $0x80, $0x38;
	[tilespmem:$0xE800] =	vst v63  }
0x95: {  	s28 =	smov.u32 s24;
	s24 =	smov.u32 s26  }
0x96: {  	s30 =	sadd.s32 $0x1100, s26;
	s24 =	sshra.s32 s24, $0x2;
	s29 =	sadd.s32 $0xA400, s28  }
0x97: {  	[hbm4b:s25+s3] =	stream.linear.scatter [tilespmem:s29], [sflag:$0x3], $0x80, $0x38;
	[tilespmem:$0xE800] =	vst v63  }
0x98: {  	p0 =	sne.s32 s26, $0x7700;
	s26 =	sadd.s32 $0xA488, s28;
	s29 =	sadd.s32 $0x10, s25  }
0x99: {  	[hbm4b:s29+s3] =	stream.linear.scatter [tilespmem:s26], [sflag:$0x3], $0x80, $0x38;
	[tilespmem:$0xE800] =	vst v63  }
0x9a: {  	s26 =	sadd.s32 $0xA510, s28;
	s29 =	sadd.s32 $0x20, s25  }
0x9b: {  	[hbm4b:s29+s3] =	stream.linear.scatter [tilespmem:s26], [sflag:$0x3], $0x80, $0x38;
	[tilespmem:$0xE800] =	vst v63  }
0x9c: {  	s26 =	sadd.s32 $0xA598, s28;
	s29 =	sadd.s32 $0x30, s25  }
0x9d: {  	[hbm4b:s29+s3] =	stream.linear.scatter [tilespmem:s26], [sflag:$0x3], $0x80, $0x38;
	[tilespmem:$0xE800] =	vst v63  }
0x9e: {  	s26 =	sadd.s32 $0xA620, s28;
	s29 =	sadd.s32 $0x40, s25  }
0x9f: {  	[hbm4b:s29+s3] =	stream.linear.scatter [tilespmem:s26], [sflag:$0x3], $0x80, $0x38;
	[tilespmem:$0xE800] =	vst v63  }
.Ltmp1:
0xa0: {  	s26 =	sadd.s32 $0xA6A8, s28;
	s29 =	sadd.s32 $0x50, s25;
	(pc) =	sbr.rel @p0 .LBB2_5-.Ltmp1, $4  }
0xa1: {  	[hbm4b:s29+s3] =	stream.linear.scatter [tilespmem:s26], [sflag:$0x3], $0x80, $0x38;
	[tilespmem:$0xE800] =	vst v63  }
0xa2: {  	s26 =	sadd.s32 $0xA730, s28;
	s29 =	sadd.s32 $0x60, s25;
	s28 =	sadd.s32 $0xA7B8, s28  }
0xa3: {  	[hbm4b:s29+s3] =	stream.linear.scatter [tilespmem:s26], [sflag:$0x3], $0x80, $0x38;
	[tilespmem:$0xE800] =	vst v63  }
0xa4: {  	s29 =	sadd.s32 $0x70, s25;
	s25 =	sadd.s32 $0x4000, s25;
	s26 =	smov.u32 s30  }
0xa5: {  	[hbm4b:s29+s3] =	stream.linear.scatter [tilespmem:s28], [sflag:$0x3], $0x80, $0x38;
	[tilespmem:$0xE800] =	vst v63  }
0xa6: {  	s26 =	sadd.s32 $0xA400, s24;
	s29 =	sadd.s32 $0xA488, s24;
	s30 =	sadd.s32 $0x10, s25  }
0xa7: {  	[hbm4b:s25+s3] =	stream.linear.scatter [tilespmem:s26], [sflag:$0x3], $0x80, $0x38;
	[tilespmem:$0xE800] =	vst v63  }
0xa8: {  	s31 =	sadd.s32 $0xA510, s24;
	s28 =	sadd.s32 $0x70, s25;
	p0 =	sgt.u32 s21, $0xC6  }
0xa9: {  	[hbm4b:s30+s3] =	stream.linear.scatter [tilespmem:s29], [sflag:$0x3], $0x80, $0x38;
	[tilespmem:$0xE800] =	vst v63  }
0xaa: {  	s21 =	sadd.s32 @!p0 $0x2, s23;
	s26 =	sadd.s32 $0xA7B8, s24;
	s29 =	sadd.s32 $0x20, s25  }
0xab: {  	[hbm4b:s29+s3] =	stream.linear.scatter [tilespmem:s31], [sflag:$0x3], $0x80, $0x38;
	[tilespmem:$0xE800] =	vst v63  }
0xac: {  	s23 =	sand.u32 @!p0 $0xFF, s21;
	s30 =	sadd.s32 $0xA598, s24;
	s31 =	sadd.s32 $0x30, s25  }
0xad: {  	[hbm4b:s31+s3] =	stream.linear.scatter [tilespmem:s30], [sflag:$0x3], $0x80, $0x38;
	[tilespmem:$0xE800] =	vst v63  }
0xae: {  	s23 =	smul.u32 @!p0 $0x29, s23;
	s29 =	sadd.s32 $0xA620, s24;
	s30 =	sadd.s32 $0x40, s25  }
0xaf: {  	[hbm4b:s30+s3] =	stream.linear.scatter [tilespmem:s29], [sflag:$0x3], $0x80, $0x38;
	[tilespmem:$0xE800] =	vst v63  }
0xb0: {  	s23 =	sshrl.u32 @!p0 s23, $0xB;
	s31 =	sadd.s32 $0xA6A8, s24;
	s29 =	sadd.s32 $0x50, s25  }
0xb1: {  	[hbm4b:s29+s3] =	stream.linear.scatter [tilespmem:s31], [sflag:$0x3], $0x80, $0x38;
	[tilespmem:$0xE800] =	vst v63  }
0xb2: {  	s30 =	sadd.s32 $0xA730, s24;
	s24 =	smul.u32 @!p0 $0x32, s23;
	s31 =	sadd.s32 $0x60, s25  }
0xb3: {  	[hbm4b:s31+s3] =	stream.linear.scatter [tilespmem:s30], [sflag:$0x3], $0x80, $0x38;
	[tilespmem:$0xE800] =	vst v63  }
0xb4: {  	s23 =	sshll.u32 @!p0 s23, $0x7;
	s29 =	simm.s32 $0x0;
	s21 =	ssub.s32 @!p0 s21, s24  }
0xb5: {  	[hbm4b:s28+s3] =	stream.linear.scatter [tilespmem:s26], [sflag:$0x3], $0x80, $0x38;
	[tilespmem:$0xE800] =	vst v63  }
0xb6: {  	v33 =	vmov s29;
	s29 =	simm.s32 $0x7;
	s21 =	sand.u32 @!p0 $0xFF, s21;
	_ =	swait.ge [sflag:s10], $0x2000  }
0xb7: {  	s30 =	simm.s32 $0x1;
	s31 =	simm.s32 $0x2;
	v33 =	vshrl.u32 v33, $0x3;
	v38 =	vmov s29;
	[sflag:s10] =	ssyncset.done $0x0  }
0xb8: {  	v34 =	vmov s30;
	v35 =	vmov s31;
	s30 =	simm.s32 $0x5;
	s31 =	simm.s32 $0x6;
	v33 =	vshll.u32 v33, v1;
	[sflag:s10] =	ssyncadd.s32 $0xFFFFE000  }
0xb9: {  	s25 =	simm.s32 @!p0 $0x6400;
	s21 =	sshll.u32 @!p0 s21, $0x9;
	v38 =	vshrl.u32 v38, $0x3;
	v39 =	vmov s30;
	v40 =	vmov s31;
	_ =	swait.ge [sflag:s16], $0x2000  }
0xba: {  	s26 =	simm.s32 $0x3;
	s28 =	simm.s32 $0x4;
	v34 =	vshrl.u32 v34, $0x3;
	v38 =	vshll.u32 v38, v1;
	v35 =	vshrl.u32 v35, $0x3;
	[sflag:s16] =	ssyncset.done $0x0  }
0xbb: {  	s21 =	sadd.s32 @!p0 s23, s21;
	s23 =	simm.s32 @!p0 $0x80;
	v33 =	vbroadcast v33, $0x0;
	v36 =	vmov s26;
	v37 =	vmov s28;
	[sflag:s16] =	ssyncadd.s32 $0xFFFFE000  }
0xbc: {  	v38 =	vbroadcast v38, $0x0;
	v34 =	vshll.u32 v34, v1;
	v52 =	vshll.u32 v35, v1;
	[tilespmem:s25], [sflag:$0x1] =	stream.indirect.gather @!p0 [hbm4b:s4+s23], $0x40, s21, s23, $0xb8;
	[tilespmem:$0xE800] =	vst v63  }
0xbd: {  	v55 =	vshrl.u32 v39, $0x3;
	v40 =	vshrl.u32 v40, $0x3;
	v36 =	vshrl.u32 v36, $0x3;
	s21 =	simm.s32 $0x8500  }
0xbe: {  	v37 =	vshrl.u32 v37, $0x3;
	v45 =	vbroadcast v34, $0x0;
	v42 =	vadd.s32 v29, v38;
	v41 =	vld [tilespmem:s21+$0xC0]  }
0xbf: {  	v44 =	vadd.s32 v0, v33;
	v52 =	vbroadcast v52, $0x0;
	v53 =	vshll.u32 v36, v1;
	v43 =	vld [tilespmem:s21+$0xFFFFFF00]  }
0xc0: {  	v54 =	vshll.u32 v37, v1;
	v47 =	vadd.s32 v5, v45;
	v35 =	vbroadcast v53, $0x0;
	v46 =	vld [tilespmem:s21+$0xFFFFFF40]  }
0xc1: {  	v36 =	vshll.u32 v55, v1;
	v49 =	vadd.s32 v9, v52;
	v34 =	vbroadcast v54, $0x0;
	v48 =	vld [tilespmem:s21+$0xFFFFFF80]  }
0xc2: {  	v56 =	vshll.u32 v40, v1;
	v37 =	vbroadcast v36, $0x0;
	v50 =	vadd.s32 v13, v35;
	v39 =	vld [tilespmem:s21+$0xFFFFFFC0]  }
0xc3: {  	v36 =	vbroadcast v56, $0x0;
	v53 =	vadd.s32 v17, v34;
	v51 =	vld [tilespmem:s21+$0x0];
	[tilespmem:v42+s17+$0x0] =	vst.idx.msk $0xffff, v41  }
0xc4: {  	v60 =	vadd.s32 v21, v37;
	v59 =	vld [tilespmem:s21+$0x40];
	[tilespmem:v44+s17+$0x0] =	vst.idx.msk $0xffff, v43  }
0xc5: {  	v62 =	vadd.s32 v25, v36;
	v61 =	vld [tilespmem:s21+$0x80];
	[tilespmem:v47+s17+$0x0] =	vst.idx.msk $0xffff, v46  }
0xc6: {  	v58 =	vadd.s32 v30, v38;
	[tilespmem:v49+s17+$0x0] =	vst.idx.msk $0xffff, v48;
	v57 =	vld [tilespmem:s21+$0xD0]  }
0xc7: {  	v63 =	vadd.s32 v6, v45;
	[tilespmem:v50+s17+$0x0] =	vst.idx.msk $0xffff, v39;
	v47 =	vld [tilespmem:s21+$0xFFFFFF50]  }
0xc8: {  	v55 =	vadd.s32 v10, v52;
	[tilespmem:v53+s17+$0x0] =	vst.idx.msk $0xffff, v51;
	v54 =	vld [tilespmem:s21+$0xFFFFFF90]  }
0xc9: {  	v56 =	vadd.s32 v14, v35;
	[tilespmem:v60+s17+$0x0] =	vst.idx.msk $0xffff, v59;
	v50 =	vld [tilespmem:s21+$0xFFFFFFD0]  }
0xca: {  	[tilespmem:v62+s17+$0x0] =	vst.idx.msk $0xffff, v61;
	v46 =	vadd.s32 v22, v37;
	v44 =	vld [tilespmem:s21+$0x50]  }
0xcb: {  	v59 =	vadd.s32 v18, v34;
	[tilespmem:v58+s17+$0x0] =	vst.idx.msk $0xffff, v57;
	v58 =	vld [tilespmem:s21+$0x10]  }
0xcc: {  	v57 =	vadd.s32 v31, v38;
	[tilespmem:v63+s17+$0x0] =	vst.idx.msk $0xffff, v47;
	v40 =	vld [tilespmem:s21+$0xE0]  }
0xcd: {  	v60 =	vadd.s32 v26, v36;
	[tilespmem:v55+s17+$0x0] =	vst.idx.msk $0xffff, v54;
	v63 =	vld [tilespmem:s21+$0x90]  }
0xce: {  	v62 =	vadd.s32 v2, v33;
	v61 =	vld [tilespmem:s21+$0xFFFFFF10];
	[tilespmem:v56+s17+$0x0] =	vst.idx.msk $0xffff, v50  }
0xcf: {  	v51 =	vadd.s32 v7, v45;
	[tilespmem:v46+s17+$0x0] =	vst.idx.msk $0xffff, v44;
	v50 =	vld [tilespmem:s21+$0xFFFFFF60]  }
0xd0: {  	v56 =	vadd.s32 v11, v52;
	v55 =	vld [tilespmem:s21+$0xFFFFFFA0];
	[tilespmem:v59+s17+$0x0] =	vst.idx.msk $0xffff, v58  }
0xd1: {  	v58 =	vadd.s32 v15, v35;
	[tilespmem:v57+s17+$0x0] =	vst.idx.msk $0xffff, v40;
	v57 =	vld [tilespmem:s21+$0xFFFFFFE0]  }
0xd2: {  	[tilespmem:v60+s17+$0x0] =	vst.idx.msk $0xffff, v63;
	v60 =	vadd.s32 v19, v34;
	v59 =	vld [tilespmem:s21+$0x20]  }
0xd3: {  	s25 =	simm.s32 $0x9;
	v38 =	vadd.s32 v32, v38;
	[tilespmem:v62+s17+$0x0] =	vst.idx.msk $0xffff, v61;
	v54 =	vld [tilespmem:s21+$0xF0]  }
0xd4: {  	s24 =	simm.s32 $0x8;
	v41 =	vadd.s32 v23, v37;
	v53 =	vmov s25;
	[tilespmem:v51+s17+$0x0] =	vst.idx.msk $0xffff, v50;
	v40 =	vld [tilespmem:s21+$0x60]  }
0xd5: {  	s29 =	simm.s32 $0xC;
	s28 =	simm.s32 $0xB;
	v43 =	vadd.s32 v27, v36;
	v48 =	vadd.s32 v3, v33;
	v63 =	vmov s24;
	v42 =	vld [tilespmem:s21+$0xA0];
	[tilespmem:v56+s17+$0x0] =	vst.idx.msk $0xffff, v55  }
0xd6: {  	s31 =	simm.s32 $0xE;
	v44 =	vmov s28;
	v47 =	vmov s29;
	v46 =	vld [tilespmem:s21+$0xFFFFFF20];
	v39 =	vshrl.u32 v63, $0x3;
	[tilespmem:v58+s17+$0x0] =	vst.idx.msk $0xffff, v57  }
0xd7: {  	s30 =	simm.s32 $0xD;
	s26 =	simm.s32 $0xA;
	v51 =	vadd.s32 v8, v45;
	v49 =	vld [tilespmem:s21+$0xFFFFFF70];
	v45 =	vshll.u32 v39, v1;
	v39 =	vmov s31;
	[tilespmem:v60+s17+$0x0] =	vst.idx.msk $0xffff, v59  }
0xd8: {  	s23 =	simm.s32 $0x10;
	v52 =	vadd.s32 v12, v52;
	s24 =	simm.s32 $0xF;
	v50 =	vld [tilespmem:s21+$0xFFFFFFB0];
	[tilespmem:v38+s17+$0x0] =	vst.idx.msk $0xffff, v54;
	v54 =	vmov s26;
	v38 =	vmov s30  }
.LBB2_7:
0xd9: {  	p0 =	slt.u32 s23, $0x78;
	v53 =	vshrl.u32 v53, $0x3;
	v55 =	vmov s24;
	v56 =	vld [tilespmem:s21+$0xFFFFFFF0];
	v35 =	vadd.s32 v16, v35;
	[tilespmem:v41+s17+$0x0] =	vst.idx.msk $0xffff, v40  }
0xda: {  	v40 =	vshrl.u32 v54, $0x3;
	v34 =	vadd.s32 v20, v34;
	v41 =	vshrl.u32 v55, $0x3;
	v54 =	vld [tilespmem:s21+$0x30];
	[tilespmem:v43+s17+$0x0] =	vst.idx.msk $0xffff, v42  }
0xdb: {  	v37 =	vadd.s32 v24, v37;
	v42 =	vshrl.u32 v44, $0x3;
	v41 =	vshll.u32 v41, v1;
	[tilespmem:v48+s17+$0x0] =	vst.idx.msk $0xffff, v46;
	v43 =	vld [tilespmem:s21+$0x70]  }
0xdc: {  	v36 =	vadd.s32 v28, v36;
	v44 =	vshrl.u32 v47, $0x3;
	v41 =	vbroadcast v41, $0x0;
	[tilespmem:v51+s17+$0x0] =	vst.idx.msk $0xffff, v49;
	v46 =	vld [tilespmem:s21+$0xB0]  }
0xdd: {  	v47 =	vshll.u32 v53, v1;
	v49 =	vadd.s32 v4, v33;
	v33 =	vbroadcast v45, $0x0;
	v48 =	vld [tilespmem:s21+$0xFFFFFF30];
	[tilespmem:v52+s17+$0x0] =	vst.idx.msk $0xffff, v50;
	s21 =	sadd.s32 $0x200, s21  }
0xde: {  	v40 =	vshll.u32 v40, v1;
	v45 =	vbroadcast v47, $0x0;
	v47 =	vld [tilespmem:s21+$0xC0];
	v50 =	vadd.s32 v29, v41;
	[tilespmem:v35+s17+$0x0] =	vst.idx.msk $0xffff, v56  }
0xdf: {  	v55 =	vbroadcast v40, $0x0;
	v52 =	vadd.s32 v0, v33;
	v35 =	vshll.u32 v42, v1;
	v51 =	vld [tilespmem:s21+$0xFFFFFF00];
	[tilespmem:v34+s17+$0x0] =	vst.idx.msk $0xffff, v54  }
0xe0: {  	v42 =	vadd.s32 v5, v45;
	v35 =	vbroadcast v35, $0x0;
	v34 =	vshll.u32 v44, v1;
	v40 =	vld [tilespmem:s21+$0xFFFFFF40];
	[tilespmem:v37+s17+$0x0] =	vst.idx.msk $0xffff, v43  }
0xe1: {  	v44 =	vadd.s32 v9, v55;
	v34 =	vbroadcast v34, $0x0;
	v37 =	vshrl.u32 v38, $0x3;
	v43 =	vld [tilespmem:s21+$0xFFFFFF80];
	[tilespmem:v36+s17+$0x0] =	vst.idx.msk $0xffff, v46  }
0xe2: {  	v39 =	vshrl.u32 v39, $0x3;
	v46 =	vadd.s32 v13, v35;
	v36 =	vshll.u32 v37, v1;
	v38 =	vld [tilespmem:s21+$0xFFFFFFC0];
	[tilespmem:v49+s17+$0x0] =	vst.idx.msk $0xffff, v48  }
0xe3: {  	v49 =	vadd.s32 v17, v34;
	v37 =	vbroadcast v36, $0x0;
	v36 =	vshll.u32 v39, v1;
	v48 =	vld [tilespmem:s21+$0x0];
	[tilespmem:v50+s17+$0x0] =	vst.idx.msk $0xffff, v47  }
0xe4: {  	v36 =	vbroadcast v36, $0x0;
	v47 =	vadd.s32 v30, v41;
	[tilespmem:v52+s17+$0x0] =	vst.idx.msk $0xffff, v51;
	v39 =	vld [tilespmem:s21+$0xD0]  }
0xe5: {  	[tilespmem:v42+s17+$0x0] =	vst.idx.msk $0xffff, v40;
	v40 =	vld [tilespmem:s21+$0x40];
	v42 =	vadd.s32 v21, v37  }
0xe6: {  	[tilespmem:v44+s17+$0x0] =	vst.idx.msk $0xffff, v43;
	v43 =	vld [tilespmem:s21+$0x80];
	v44 =	vadd.s32 v25, v36  }
0xe7: {  	v51 =	vadd.s32 v6, v45;
	v50 =	vld [tilespmem:s21+$0xFFFFFF50];
	[tilespmem:v46+s17+$0x0] =	vst.idx.msk $0xffff, v38  }
0xe8: {  	v46 =	vadd.s32 v10, v55;
	v38 =	vld [tilespmem:s21+$0xFFFFFF90];
	[tilespmem:v49+s17+$0x0] =	vst.idx.msk $0xffff, v48  }
0xe9: {  	v49 =	vadd.s32 v14, v35;
	v48 =	vld [tilespmem:s21+$0xFFFFFFD0];
	[tilespmem:v47+s17+$0x0] =	vst.idx.msk $0xffff, v39  }
0xea: {  	[tilespmem:v42+s17+$0x0] =	vst.idx.msk $0xffff, v40;
	v39 =	vld [tilespmem:s21+$0xE0];
	v40 =	vadd.s32 v31, v41  }
0xeb: {  	v47 =	vadd.s32 v18, v34;
	v42 =	vld [tilespmem:s21+$0x10];
	[tilespmem:v44+s17+$0x0] =	vst.idx.msk $0xffff, v43  }
0xec: {  	v44 =	vadd.s32 v22, v37;
	[tilespmem:v51+s17+$0x0] =	vst.idx.msk $0xffff, v50;
	v43 =	vld [tilespmem:s21+$0x50]  }
0xed: {  	[tilespmem:v46+s17+$0x0] =	vst.idx.msk $0xffff, v38;
	v38 =	vld [tilespmem:s21+$0x90];
	v46 =	vadd.s32 v26, v36  }
0xee: {  	v51 =	vadd.s32 v2, v33;
	v50 =	vld [tilespmem:s21+$0xFFFFFF10];
	[tilespmem:v49+s17+$0x0] =	vst.idx.msk $0xffff, v48  }
0xef: {  	v49 =	vadd.s32 v7, v45;
	v48 =	vld [tilespmem:s21+$0xFFFFFF60];
	[tilespmem:v40+s17+$0x0] =	vst.idx.msk $0xffff, v39  }
0xf0: {  	[tilespmem:v47+s17+$0x0] =	vst.idx.msk $0xffff, v42;
	v39 =	vld [tilespmem:s21+$0xF0];
	v47 =	vadd.s32 v32, v41  }
0xf1: {  	v56 =	vadd.s32 v11, v55;
	v52 =	vld [tilespmem:s21+$0xFFFFFFA0];
	[tilespmem:v44+s17+$0x0] =	vst.idx.msk $0xffff, v43  }
0xf2: {  	v58 =	vadd.s32 v15, v35;
	v57 =	vld [tilespmem:s21+$0xFFFFFFE0];
	[tilespmem:v46+s17+$0x0] =	vst.idx.msk $0xffff, v38  }
0xf3: {  	v60 =	vadd.s32 v19, v34;
	[tilespmem:v51+s17+$0x0] =	vst.idx.msk $0xffff, v50;
	v59 =	vld [tilespmem:s21+$0x20]  }
.Ltmp2:
0xf4: {  	s24 =	sadd.s32 $0x1, s23;
	v41 =	vadd.s32 v23, v37;
	v38 =	vmov s23;
	[tilespmem:v49+s17+$0x0] =	vst.idx.msk $0xffff, v48;
	v40 =	vld [tilespmem:s21+$0x60];
	(pc) =	sbr.rel @p0 .LBB2_7-.Ltmp2, $4  }
0xf5: {  	s25 =	sadd.s32 $0x3, s23;
	v53 =	vmov s24;
	s24 =	sadd.s32 $0x2, s23;
	v43 =	vadd.s32 v27, v36;
	v50 =	vshrl.u32 v38, $0x3;
	v42 =	vld [tilespmem:s21+$0xA0];
	[tilespmem:v47+s17+$0x0] =	vst.idx.msk $0xffff, v39  }
0xf6: {  	v54 =	vmov s24;
	s24 =	sadd.s32 $0x4, s23;
	v44 =	vmov s25;
	s25 =	sadd.s32 $0x5, s23;
	v48 =	vadd.s32 v3, v33;
	v46 =	vld [tilespmem:s21+$0xFFFFFF20];
	[tilespmem:v56+s17+$0x0] =	vst.idx.msk $0xffff, v52  }
0xf7: {  	v38 =	vmov s25;
	v51 =	vadd.s32 v8, v45;
	v47 =	vmov s24;
	s24 =	sadd.s32 $0x6, s23;
	v49 =	vld [tilespmem:s21+$0xFFFFFF70];
	[tilespmem:v58+s17+$0x0] =	vst.idx.msk $0xffff, v57  }
0xf8: {  	v45 =	vshll.u32 v50, v1;
	v39 =	vmov s24;
	s24 =	sadd.s32 $0x7, s23;
	s23 =	sadd.s32 $0x8, s23;
	v52 =	vadd.s32 v12, v55;
	v50 =	vld [tilespmem:s21+$0xFFFFFFB0];
	[tilespmem:v60+s17+$0x0] =	vst.idx.msk $0xffff, v59  }
0xf9: {  	_ =	sdelay $0x2  }
0xfa: {  	v53 =	vshrl.u32 v53, $0x3  }
0xfb: {  	v55 =	vmov s24;
	v56 =	vld [tilespmem:s21+$0xFFFFFFF0];
	v35 =	vadd.s32 v16, v35;
	[tilespmem:v41+s17+$0x0] =	vst.idx.msk $0xffff, v40;
	v57 =	vshrl.u32 v54, $0x3  }
0xfc: {  	v59 =	vld [tilespmem:s21+$0x30];
	v34 =	vadd.s32 v20, v34;
	v60 =	vshrl.u32 v44, $0x3;
	v58 =	vshrl.u32 v55, $0x3;
	[tilespmem:v43+s17+$0x0] =	vst.idx.msk $0xffff, v42  }
0xfd: {  	v37 =	vadd.s32 v24, v37;
	v62 =	vshrl.u32 v47, $0x3;
	v61 =	vld [tilespmem:s21+$0x70];
	v41 =	vshll.u32 v58, v1;
	[tilespmem:v48+s17+$0x0] =	vst.idx.msk $0xffff, v46  }
0xfe: {  	v36 =	vadd.s32 v28, v36;
	v45 =	vbroadcast v45, $0x0;
	v63 =	vld [tilespmem:s21+$0xB0];
	v41 =	vbroadcast v41, $0x0;
	[tilespmem:v51+s17+$0x0] =	vst.idx.msk $0xffff, v49  }
0xff: {  	v33 =	vadd.s32 v4, v33;
	s24 =	sadd.s32 $0x200, s21;
	v38 =	vshrl.u32 v38, $0x3;
	v55 =	vshll.u32 v53, v1;
	v48 =	vld [tilespmem:s21+$0xFFFFFF30];
	[tilespmem:v52+s17+$0x0] =	vst.idx.msk $0xffff, v50  }
0x100: {  	v40 =	vshll.u32 v57, v1;
	v47 =	vbroadcast v55, $0x0;
	v49 =	vld [tilespmem:s24+$0xC0];
	v50 =	vadd.s32 v29, v41;
	[tilespmem:v35+s17+$0x0] =	vst.idx.msk $0xffff, v56  }
0x101: {  	v42 =	vshll.u32 v60, v1;
	v40 =	vbroadcast v40, $0x0;
	v35 =	vld [tilespmem:s24+$0xFFFFFF00];
	v56 =	vadd.s32 v0, v45;
	[tilespmem:v34+s17+$0x0] =	vst.idx.msk $0xffff, v59  }
0x102: {  	v57 =	vld [tilespmem:s24+$0xFFFFFF40];
	v44 =	vshll.u32 v62, v1;
	v42 =	vbroadcast v42, $0x0;
	v58 =	vadd.s32 v5, v47;
	[tilespmem:v37+s17+$0x0] =	vst.idx.msk $0xffff, v61  }
0x103: {  	v38 =	vshll.u32 v38, v1;
	v44 =	vbroadcast v44, $0x0;
	v60 =	vadd.s32 v9, v40;
	v59 =	vld [tilespmem:s24+$0xFFFFFF80];
	[tilespmem:v36+s17+$0x0] =	vst.idx.msk $0xffff, v63  }
0x104: {  	v38 =	vbroadcast v38, $0x0;
	v62 =	vadd.s32 v13, v42;
	v61 =	vld [tilespmem:s24+$0xFFFFFFC0];
	[tilespmem:v33+s17+$0x0] =	vst.idx.msk $0xffff, v48  }
0x105: {  	v39 =	vshrl.u32 v39, $0x3;
	v63 =	vadd.s32 v17, v44;
	v33 =	vld [tilespmem:s24+$0x0];
	[tilespmem:v50+s17+$0x0] =	vst.idx.msk $0xffff, v49  }
0x106: {  	v39 =	vshll.u32 v39, v1;
	v34 =	vld [tilespmem:s24+$0x40];
	[tilespmem:v56+s17+$0x0] =	vst.idx.msk $0xffff, v35;
	v56 =	vadd.s32 v21, v38  }
0x107: {  	[tilespmem:v58+s17+$0x0] =	vst.idx.msk $0xffff, v57;
	v35 =	vbroadcast v39, $0x0;
	v49 =	vadd.s32 v30, v41;
	v39 =	vld [tilespmem:s24+$0xD0]  }
0x108: {  	[tilespmem:v60+s17+$0x0] =	vst.idx.msk $0xffff, v59;
	v59 =	vld [tilespmem:s24+$0xFFFFFF50];
	v60 =	vadd.s32 v6, v47  }
0x109: {  	v57 =	vld [tilespmem:s24+$0x80];
	[tilespmem:v62+s17+$0x0] =	vst.idx.msk $0xffff, v61;
	v58 =	vadd.s32 v25, v35  }
0x10a: {  	v61 =	vld [tilespmem:s24+$0xFFFFFF90];
	v62 =	vadd.s32 v10, v40;
	[tilespmem:v63+s17+$0x0] =	vst.idx.msk $0xffff, v33  }
0x10b: {  	v33 =	vld [tilespmem:s24+$0xFFFFFFD0];
	v63 =	vadd.s32 v14, v42;
	[tilespmem:v56+s17+$0x0] =	vst.idx.msk $0xffff, v34  }
0x10c: {  	v56 =	vadd.s32 v18, v44;
	[tilespmem:v49+s17+$0x0] =	vst.idx.msk $0xffff, v39;
	v49 =	vld [tilespmem:s24+$0x10]  }
0x10d: {  	[tilespmem:v60+s17+$0x0] =	vst.idx.msk $0xffff, v59;
	v39 =	vadd.s32 v31, v41;
	v34 =	vld [tilespmem:s24+$0xE0]  }
0x10e: {  	[tilespmem:v58+s17+$0x0] =	vst.idx.msk $0xffff, v57;
	v57 =	vld [tilespmem:s24+$0x50];
	v58 =	vadd.s32 v22, v38  }
0x10f: {  	[tilespmem:v62+s17+$0x0] =	vst.idx.msk $0xffff, v61;
	v61 =	vld [tilespmem:s24+$0xFFFFFF10];
	v62 =	vadd.s32 v2, v45  }
0x110: {  	v60 =	vadd.s32 v26, v35;
	v59 =	vld [tilespmem:s24+$0x90];
	[tilespmem:v63+s17+$0x0] =	vst.idx.msk $0xffff, v33  }
0x111: {  	v55 =	vadd.s32 v11, v40;
	v54 =	vadd.s32 v32, v41;
	v41 =	vld [tilespmem:s24+$0xFFFFFFA0];
	[tilespmem:v56+s17+$0x0] =	vst.idx.msk $0xffff, v49  }
0x112: {  	v53 =	vadd.s32 v7, v47;
	v63 =	vld [tilespmem:s24+$0xFFFFFF60];
	[tilespmem:v39+s17+$0x0] =	vst.idx.msk $0xffff, v34  }
0x113: {  	v56 =	vld [tilespmem:s24+$0xFFFFFFE0];
	[tilespmem:v58+s17+$0x0] =	vst.idx.msk $0xffff, v57;
	v57 =	vadd.s32 v15, v42  }
0x114: {  	[tilespmem:v62+s17+$0x0] =	vst.idx.msk $0xffff, v61;
	v34 =	vld [tilespmem:s24+$0xF0]  }
0x115: {  	v58 =	vld [tilespmem:s24+$0x20];
	[tilespmem:v60+s17+$0x0] =	vst.idx.msk $0xffff, v59;
	v59 =	vadd.s32 v19, v44  }
0x116: {  	v61 =	vadd.s32 v23, v38;
	[tilespmem:v55+s17+$0x0] =	vst.idx.msk $0xffff, v41;
	v60 =	vld [tilespmem:s24+$0x60]  }
0x117: {  	[tilespmem:v53+s17+$0x0] =	vst.idx.msk $0xffff, v63;
	v63 =	vadd.s32 v27, v35;
	v62 =	vld [tilespmem:s24+$0xA0]  }
0x118: {  	v47 =	vadd.s32 v8, v47;
	v55 =	vld [tilespmem:s24+$0xFFFFFF70];
	[tilespmem:v57+s17+$0x0] =	vst.idx.msk $0xffff, v56  }
0x119: {  	v53 =	vld [tilespmem:s24+$0xFFFFFF20];
	[tilespmem:v54+s17+$0x0] =	vst.idx.msk $0xffff, v34;
	v54 =	vadd.s32 v3, v45  }
0x11a: {  	v40 =	vadd.s32 v12, v40;
	v56 =	vld [tilespmem:s24+$0xFFFFFFB0];
	[tilespmem:v59+s17+$0x0] =	vst.idx.msk $0xffff, v58  }
0x11b: {  	v42 =	vadd.s32 v16, v42;
	v57 =	vld [tilespmem:s24+$0xFFFFFFF0];
	[tilespmem:v61+s17+$0x0] =	vst.idx.msk $0xffff, v60  }
0x11c: {  	v59 =	vadd.s32 v20, v44;
	v58 =	vld [tilespmem:s24+$0x30];
	[tilespmem:v63+s17+$0x0] =	vst.idx.msk $0xffff, v62  }
0x11d: {  	v38 =	vadd.s32 v24, v38;
	v60 =	vld [tilespmem:s24+$0x70];
	[tilespmem:v47+s17+$0x0] =	vst.idx.msk $0xffff, v55  }
0x11e: {  	v35 =	vadd.s32 v28, v35;
	v61 =	vld [tilespmem:s24+$0xB0];
	[tilespmem:v54+s17+$0x0] =	vst.idx.msk $0xffff, v53  }
0x11f: {  	v63 =	vadd.s32 v4, v45;
	[tilespmem:v40+s17+$0x0] =	vst.idx.msk $0xffff, v56;
	v62 =	vld [tilespmem:s24+$0xFFFFFF30]  }
0x120: {  	[tilespmem:v42+s17+$0x0] =	vst.idx.msk $0xffff, v57  }
0x121: {  	[tilespmem:v59+s17+$0x0] =	vst.idx.msk $0xffff, v58  }
0x122: {  	[tilespmem:v38+s17+$0x0] =	vst.idx.msk $0xffff, v60  }
0x123: {  	s20 =	sshll.u32 s20, $0x11;
	s25 =	sadd.s32 s1, s22;
	[tilespmem:v35+s17+$0x0] =	vst.idx.msk $0xffff, v61  }
0x124: {  	s26 =	simm.s32 $0xC600;
	s21 =	sadd.s32 s20, s25;
	[tilespmem:v63+s17+$0x0] =	vst.idx.msk $0xffff, v62  }
0x125: {  	[hbm4b:s21+s3] =	stream.linear.scatter [tilespmem:s26], [sflag:$0x3], $0x80, $0x38;
	[tilespmem:$0xE800] =	vst v63  }
0x126: {  	s28 =	simm.s32 $0xC688;
	s29 =	sadd.s32 $0x10, s21  }
0x127: {  	[hbm4b:s29+s3] =	stream.linear.scatter [tilespmem:s28], [sflag:$0x3], $0x80, $0x38;
	[tilespmem:$0xE800] =	vst v63  }
0x128: {  	s30 =	simm.s32 $0xC710;
	s23 =	simm.s32 $0xC798;
	s31 =	sadd.s32 $0x20, s21  }
0x129: {  	[hbm4b:s31+s3] =	stream.linear.scatter [tilespmem:s30], [sflag:$0x3], $0x80, $0x38;
	[tilespmem:$0xE800] =	vst v63  }
0x12a: {  	s22 =	simm.s32 $0x2200;
	s25 =	simm.s32 $0xC820;
	s24 =	sadd.s32 $0x30, s21  }
0x12b: {  	[hbm4b:s24+s3] =	stream.linear.scatter [tilespmem:s23], [sflag:$0x3], $0x80, $0x38;
	[tilespmem:$0xE800] =	vst v63  }
0x12c: {  	s20 =	simm.s32 $0x440;
	s26 =	sadd.s32 $0x40, s21;
	s28 =	simm.s32 $0xC8A8  }
0x12d: {  	[hbm4b:s26+s3] =	stream.linear.scatter [tilespmem:s25], [sflag:$0x3], $0x80, $0x38;
	[tilespmem:$0xE800] =	vst v63  }
0x12e: {  	s29 =	sadd.s32 $0x50, s21;
	s30 =	simm.s32 $0xC930;
	s31 =	sadd.s32 $0x60, s21  }
0x12f: {  	[hbm4b:s29+s3] =	stream.linear.scatter [tilespmem:s28], [sflag:$0x3], $0x80, $0x38;
	[tilespmem:$0xE800] =	vst v63  }
0x130: {  	s23 =	simm.s32 $0xC9B8;
	s24 =	sadd.s32 $0x70, s21;
	s21 =	sadd.s32 $0x4000, s21  }
0x131: {  	[hbm4b:s31+s3] =	stream.linear.scatter [tilespmem:s30], [sflag:$0x3], $0x80, $0x38;
	[tilespmem:$0xE800] =	vst v63  }
.LBB2_9:
0x132: {  	[hbm4b:s24+s3] =	stream.linear.scatter [tilespmem:s23], [sflag:$0x3], $0x80, $0x38;
	[tilespmem:$0xE800] =	vst v63  }
0x133: {  	s23 =	smov.u32 s20;
	s20 =	smov.u32 s22  }
0x134: {  	s25 =	sadd.s32 $0x1100, s22;
	s20 =	sshra.s32 s20, $0x2;
	s24 =	sadd.s32 $0xC600, s23  }
0x135: {  	[hbm4b:s21+s3] =	stream.linear.scatter [tilespmem:s24], [sflag:$0x3], $0x80, $0x38;
	[tilespmem:$0xE800] =	vst v63  }
0x136: {  	p0 =	sne.s32 s22, $0x7700;
	s22 =	sadd.s32 $0xC688, s23;
	s24 =	sadd.s32 $0x10, s21  }
0x137: {  	[hbm4b:s24+s3] =	stream.linear.scatter [tilespmem:s22], [sflag:$0x3], $0x80, $0x38;
	[tilespmem:$0xE800] =	vst v63  }
0x138: {  	s22 =	sadd.s32 $0xC710, s23;
	s24 =	sadd.s32 $0x20, s21  }
0x139: {  	[hbm4b:s24+s3] =	stream.linear.scatter [tilespmem:s22], [sflag:$0x3], $0x80, $0x38;
	[tilespmem:$0xE800] =	vst v63  }
0x13a: {  	s22 =	sadd.s32 $0xC798, s23;
	s24 =	sadd.s32 $0x30, s21  }
0x13b: {  	[hbm4b:s24+s3] =	stream.linear.scatter [tilespmem:s22], [sflag:$0x3], $0x80, $0x38;
	[tilespmem:$0xE800] =	vst v63  }
0x13c: {  	s22 =	sadd.s32 $0xC820, s23;
	s24 =	sadd.s32 $0x40, s21  }
0x13d: {  	[hbm4b:s24+s3] =	stream.linear.scatter [tilespmem:s22], [sflag:$0x3], $0x80, $0x38;
	[tilespmem:$0xE800] =	vst v63  }
.Ltmp3:
0x13e: {  	s22 =	sadd.s32 $0xC8A8, s23;
	s24 =	sadd.s32 $0x50, s21;
	(pc) =	sbr.rel @p0 .LBB2_9-.Ltmp3, $4  }
0x13f: {  	[hbm4b:s24+s3] =	stream.linear.scatter [tilespmem:s22], [sflag:$0x3], $0x80, $0x38;
	[tilespmem:$0xE800] =	vst v63  }
0x140: {  	s22 =	sadd.s32 $0xC930, s23;
	s24 =	sadd.s32 $0x60, s21;
	s23 =	sadd.s32 $0xC9B8, s23  }
0x141: {  	[hbm4b:s24+s3] =	stream.linear.scatter [tilespmem:s22], [sflag:$0x3], $0x80, $0x38;
	[tilespmem:$0xE800] =	vst v63  }
0x142: {  	s24 =	sadd.s32 $0x70, s21;
	s21 =	sadd.s32 $0x4000, s21;
	s22 =	smov.u32 s25  }
0x143: {  	[hbm4b:s24+s3] =	stream.linear.scatter [tilespmem:s23], [sflag:$0x3], $0x80, $0x38;
	[tilespmem:$0xE800] =	vst v63  }
0x144: {  	s22 =	sadd.s32 $0xC600, s20  }
0x145: {  	[hbm4b:s21+s3] =	stream.linear.scatter [tilespmem:s22], [sflag:$0x3], $0x80, $0x38;
	[tilespmem:$0xE800] =	vst v63  }
0x146: {  	s25 =	sadd.s32 $0xC688, s20;
	s26 =	sadd.s32 $0x10, s21  }
0x147: {  	[hbm4b:s26+s3] =	stream.linear.scatter [tilespmem:s25], [sflag:$0x3], $0x80, $0x38;
	[tilespmem:$0xE800] =	vst v63  }
0x148: {  	s28 =	sadd.s32 $0xC710, s20;
	s29 =	sadd.s32 $0x20, s21  }
0x149: {  	[hbm4b:s29+s3] =	stream.linear.scatter [tilespmem:s28], [sflag:$0x3], $0x80, $0x38;
	[tilespmem:$0xE800] =	vst v63  }
0x14a: {  	s30 =	sadd.s32 $0xC798, s20;
	s31 =	sadd.s32 $0x30, s21  }
0x14b: {  	[hbm4b:s31+s3] =	stream.linear.scatter [tilespmem:s30], [sflag:$0x3], $0x80, $0x38;
	[tilespmem:$0xE800] =	vst v63  }
0x14c: {  	s23 =	sadd.s32 $0xC820, s20;
	s24 =	sadd.s32 $0x40, s21  }
0x14d: {  	[hbm4b:s24+s3] =	stream.linear.scatter [tilespmem:s23], [sflag:$0x3], $0x80, $0x38;
	[tilespmem:$0xE800] =	vst v63  }
0x14e: {  	s19 =	sadd.s32 $0x1, s19;
	s25 =	sadd.s32 $0xC8A8, s20;
	s26 =	sadd.s32 $0x50, s21  }
0x14f: {  	[hbm4b:s26+s3] =	stream.linear.scatter [tilespmem:s25], [sflag:$0x3], $0x80, $0x38;
	[tilespmem:$0xE800] =	vst v63  }
0x150: {  	p0 =	sne.s32 s19, $0x64;
	s28 =	sadd.s32 $0xC930, s20;
	s29 =	sadd.s32 $0x60, s21  }
0x151: {  	[hbm4b:s29+s3] =	stream.linear.scatter [tilespmem:s28], [sflag:$0x3], $0x80, $0x38;
	[tilespmem:$0xE800] =	vst v63  }
.Ltmp4:
0x152: {  	s30 =	sadd.s32 $0xC9B8, s20;
	s31 =	sadd.s32 $0x70, s21;
	(pc) =	sbr.rel @p0 .LBB2_2-.Ltmp4, $4  }
0x153: {  	[hbm4b:s31+s3] =	stream.linear.scatter [tilespmem:s30], [sflag:$0x3], $0x80, $0x38;
	[tilespmem:$0xE800] =	vst v63  }
0x154: {  	_ =	swait.ge [sflag:s10], $0x2000  }
0x155: {  	[sflag:s10] =	ssyncset.done $0x0  }
0x156: {  	[sflag:s10] =	ssyncadd.s32 $0xFFFFE000  }
0x157: {  	s18 =	sadd.s32 $0x1, s18  }
0x158: {  	p0 =	sne.s32 s18, s7  }
.Ltmp5:
0x159: {  	_ = 	snop;
	(pc) =	sbr.rel @p0 .LBB2_1-.Ltmp5, $1  }
0x15a: {  	_ =	sdelay $0x3  }
0x15b: {  	_ =	sfence.sel $0x180000  }
0x15c: {  	[bflag:$0x0] =	sbarrier.arrive $0xFFFF  }
0x15d: {  	p0 =	sne.s32 s2, $0x0;
	_ =	strace $0x90000047  }
0x15e: {  	s0 =	sadd.s32 @!p0 $0x100000, s0;
	[bflag:$0x2] =	sbarrier.arrive $0xFFFF  }
0x15f: {  	[sflag:s0] =	ssyncadd.tile.s32 @!p0 $0x1;
	_ =	shalt  }
.Lfunc_end2:
_tile_overlayer_lowered:
.L_overlay_start_2:
0x160: {  	(tag) =	ssettag $0x2  }
0x161: {  	s0 =	rddreg [dreg:$0x0];
	s2 =	stileid.u32  }
0x162: {  	s1 =	rddreg [dreg:$0x1];
	p0 =	sne.s32 s2, $0x0  }
0x163: {  	s3 =	rddreg [dreg:$0x2];
	[bflag:$0x3] =	sbarrier.arrive $0xFFFF;
	s2 =	simm.s32 @!p0 $0x1C03  }
0x164: {  	[timem:s3], [sflag:s2] =	dma.local @!p0 [hbm:s0], s1  }
0x165: {  	s0 =	simm.s32 @!p0 $0x3  }
0x166: {  	_ =	swait.ge @!p0 [sflag:s0], s1  }
0x167: {  	s1 =	ssub.s32 @!p0 $0x0, s1;
	[sflag:s0] =	ssyncset.done @!p0 $0x0  }
0x168: {  	[sflag:s0] =	ssyncadd.s32 @!p0 s1  }
0x169: {  	[bflag:$0x3] =	sbarrier.arrive $0xFFFF  }
0x16a: {  	_ =	shalt  }

</sc_bundles>
